<compile_context>
chip_gen: v7x
topology: tpu7x:2x2x1
jax: 0.10.2.dev20260603
libtpu: 0.0.44.dev20260713+nightly
codegen_flags: <defaults>
</compile_context>

<pallas_src>
import numpy as np
import jax
import jax.numpy as jnp
from jax import lax
from jax.experimental import pallas as pl
from jax.experimental.pallas import tpu as pltpu
from jax.experimental.pallas import tpu_sc as plsc

_B, _N, _D = 4, 10000, 3
_P = 64
_K = 16
_M = 8
_NC, _NS, _L = 2, 16, 16
_NW = _NC * _NS
_QPT = _B * _P // _NW
_NP = 10240
_GC = 4
_NGRP = _NP // (_GC * _L)
_CAP = 4096
_CGRP = _CAP // (_GC * _L)
_PNT_IDX = np.random.default_rng(0).permutation(_N)[:_P]


def _scan_topk(cldx, cldy, cldz, qx, qy, qz, keep_lane, ngroups):
  lane = lax.iota(jnp.int32, _L)

  def group(g, carry):
    bd, bi, tb = carry
    base = g * (_GC * _L)
    d2s = []
    hit = None
    for u in range(_GC):
      off = base + u * _L
      px = cldx[pl.ds(off, _L)]
      py = cldy[pl.ds(off, _L)]
      pz = cldz[pl.ds(off, _L)]
      dx = px - qx
      dy = py - qy
      dz = pz - qz
      d2 = dx * dx + dy * dy + dz * dz
      d2s.append(d2)
      m = d2 < tb
      hit = m if hit is None else (hit | m)

    def do_group(args):
      bd, bi, tb = args
      for u in range(_GC):
        d2 = d2s[u]

        def merge(args, u=u, d2=d2):
          bd, bi, _ = args
          iv = (base + u * _L) + lane
          cd, ci = plsc.sort_key_val(d2, iv)
          rd = lax.rev(bd, (0,))
          ri = lax.rev(bi, (0,))
          m = cd < rd
          nd = jnp.where(m, cd, rd)
          ni = jnp.where(m, ci, ri)
          sd, si = plsc.sort_key_val(nd, ni)
          return sd, si, jnp.full((_L,), sd[keep_lane])

        cu = plsc.all_reduce_population_count(d2 < tb)
        bd, bi, tb = lax.cond(cu[0] > 0, merge, lambda a: a, (bd, bi, tb))
      return bd, bi, tb

    cnt = plsc.all_reduce_population_count(hit)
    return lax.cond(cnt[0] > 0, do_group, lambda a: a, (bd, bi, tb))

  bd0 = jnp.full((_L,), jnp.inf, jnp.float32)
  bi0 = jnp.zeros((_L,), jnp.int32)
  tb0 = jnp.full((_L,), jnp.inf, jnp.float32)
  bd, bi, _ = lax.fori_loop(0, ngroups, group, (bd0, bi0, tb0))
  return bd, bi


def _sc_knn_body(cloud_hbm, q_hbm, fc_hbm, nz_hbm,
                 cldx, cldy, cldz, qvr, fcs, nzs, candx, candy, candz):
  wid = lax.axis_index("c") * _NS + lax.axis_index("s")
  b = wid // (_NW // _B)
  pltpu.sync_copy(cloud_hbm.at[pl.ds((b * _D + 0) * _NP, _NP)], cldx)
  pltpu.sync_copy(cloud_hbm.at[pl.ds((b * _D + 1) * _NP, _NP)], cldy)
  pltpu.sync_copy(cloud_hbm.at[pl.ds((b * _D + 2) * _NP, _NP)], cldz)
  pltpu.sync_copy(q_hbm.at[pl.ds(wid * _QPT * _D * _L, _QPT * _D * _L)], qvr)
  lane = lax.iota(jnp.int32, _L)
  msk8 = lane < _M

  sentinel = jnp.full((_L,), 1e18, jnp.float32)

  def per_query(j, _):
    qb = j * _D * _L
    qx = qvr[pl.ds(qb, _L)]
    qy = qvr[pl.ds(qb + _L, _L)]
    qz = qvr[pl.ds(qb + 2 * _L, _L)]
    bd, bi = _scan_topk(cldx, cldy, cldz, qx, qy, qz, _K - 1, _NGRP)
    fx = plsc.load_gather(cldx, [bi])
    fy = plsc.load_gather(cldy, [bi])
    fz = plsc.load_gather(cldz, [bi])
    fcs[pl.ds(qb, _L)] = fx - qx
    fcs[pl.ds(qb + _L, _L)] = fy - qy
    fcs[pl.ds(qb + 2 * _L, _L)] = fz - qz

    rcand2 = 5.0 * bd[_K - 1]
    rc_b = jnp.full((_L,), rcand2)

    def fill(c, _):
      fb = c * _L
      candx[pl.ds(fb, _L)] = sentinel
      candy[pl.ds(fb, _L)] = sentinel
      candz[pl.ds(fb, _L)] = sentinel
      return 0

    lax.fori_loop(0, _CAP // _L, fill, 0)

    def comp(c, off):
      cb = c * _L
      px = cldx[pl.ds(cb, _L)]
      py = cldy[pl.ds(cb, _L)]
      pz = cldz[pl.ds(cb, _L)]
      dx = px - qx
      dy = py - qy
      dz = pz - qz
      d2 = dx * dx + dy * dy + dz * dz
      m = d2 < rc_b
      cnt = plsc.all_reduce_population_count(m)[0]

      def do_store(off):
        plsc.store_compressed(candx.at[pl.ds(off, _L)], px, mask=m)
        plsc.store_compressed(candy.at[pl.ds(off, _L)], py, mask=m)
        plsc.store_compressed(candz.at[pl.ds(off, _L)], pz, mask=m)
        return off + cnt

      return lax.cond((cnt > 0) & (off <= _CAP - _L), do_store,
                      lambda o: o + cnt, off)

    count = lax.fori_loop(0, _NP // _L, comp, 0)
    ok_ov = count <= _CAP - _L

    ncc = jnp.minimum((count + _L - 1) // _L, _CAP // _L)

    def per_frame(k, nz):
      nzx, nzy, nzz = nz
      sel = lane == k
      fxk = jnp.full((_L,), jnp.sum(jnp.where(sel, fx, 0.0)))
      fyk = jnp.full((_L,), jnp.sum(jnp.where(sel, fy, 0.0)))
      fzk = jnp.full((_L,), jnp.sum(jnp.where(sel, fz, 0.0)))
      dfq2 = jnp.sum(jnp.where(sel, bd, 0.0))

      def ins(c, slots):
        cb2 = c * _L
        px = candx[pl.ds(cb2, _L)]
        py = candy[pl.ds(cb2, _L)]
        pz = candz[pl.ds(cb2, _L)]
        dx = px - fxk
        dy = py - fyk
        dz = pz - fzk
        d = dx * dx + dy * dy + dz * dz
        out = []
        for a in slots:
          lo = jnp.minimum(d, a)
          d = jnp.maximum(d, a)
          out.append(lo)
        return tuple(out)

      inf16 = jnp.full((_L,), jnp.inf, jnp.float32)
      slots = lax.fori_loop(0, ncc, ins, (inf16,) * _M)

      m = jnp.sort(slots[0])
      for a in slots[1:]:
        m = jnp.sort(jnp.minimum(m, lax.rev(jnp.sort(a), (0,))))
      t8 = m[_M - 1]
      ok = ok_ov & (2.0 * (dfq2 + t8) <= rcand2)
      t8b = jnp.full((_L,), t8)

      def use_cand(_):
        def acc(c, carry):
          ax, ay, az, an = carry
          cb2 = c * _L
          px = candx[pl.ds(cb2, _L)]
          py = candy[pl.ds(cb2, _L)]
          pz = candz[pl.ds(cb2, _L)]
          dx = px - fxk
          dy = py - fyk
          dz = pz - fzk
          d = dx * dx + dy * dy + dz * dz
          mm = d <= t8b
          return (ax + jnp.where(mm, px, 0.0), ay + jnp.where(mm, py, 0.0),
                  az + jnp.where(mm, pz, 0.0), an + jnp.where(mm, 1.0, 0.0))

        z16 = jnp.zeros((_L,), jnp.float32)
        ax, ay, az, an = lax.fori_loop(0, ncc, acc, (z16, z16, z16, z16))
        cnt = jnp.full((_L,), jnp.sum(an))
        return (jnp.full((_L,), jnp.sum(ax)) / cnt,
                jnp.full((_L,), jnp.sum(ay)) / cnt,
                jnp.full((_L,), jnp.sum(az)) / cnt)

      def full_scan(_):
        _, bif = _scan_topk(cldx, cldy, cldz, fxk, fyk, fzk, _M - 1, _NGRP)
        gx = plsc.load_gather(cldx, [bif])
        gy = plsc.load_gather(cldy, [bif])
        gz = plsc.load_gather(cldz, [bif])
        inv_m = jnp.float32(1.0 / _M)
        return (jnp.full((_L,), jnp.sum(jnp.where(msk8, gx, 0.0)) * inv_m),
                jnp.full((_L,), jnp.sum(jnp.where(msk8, gy, 0.0)) * inv_m),
                jnp.full((_L,), jnp.sum(jnp.where(msk8, gz, 0.0)) * inv_m))

      mx, my, mz = lax.cond(ok, use_cand, full_scan, 0)
      nzx = jnp.where(sel, fxk - mx, nzx)
      nzy = jnp.where(sel, fyk - my, nzy)
      nzz = jnp.where(sel, fzk - mz, nzz)
      return nzx, nzy, nzz

    z = jnp.zeros((_L,), jnp.float32)
    nzx, nzy, nzz = lax.fori_loop(0, _K, per_frame, (z, z, z))
    nzs[pl.ds(qb, _L)] = nzx
    nzs[pl.ds(qb + _L, _L)] = nzy
    nzs[pl.ds(qb + 2 * _L, _L)] = nzz
    return 0

  lax.fori_loop(0, _QPT, per_query, 0)
  base = wid * _QPT * _D * _L
  pltpu.sync_copy(fcs, fc_hbm.at[pl.ds(base, _QPT * _D * _L)])
  pltpu.sync_copy(nzs, nz_hbm.at[pl.ds(base, _QPT * _D * _L)])


def _sc_knn(cloud_flat, q_rep):
  mesh = plsc.VectorSubcoreMesh(
      core_axis_name="c", subcore_axis_name="s",
      num_cores=_NC, num_subcores=_NS)
  out = jax.ShapeDtypeStruct((_B * _P * _D * _K,), jnp.float32)
  return pl.kernel(
      _sc_knn_body,
      out_type=(out, out),
      mesh=mesh,
      compiler_params=pltpu.CompilerParams(needs_layout_passes=False),
      scratch_types=[
          pltpu.VMEM((_NP,), jnp.float32),
          pltpu.VMEM((_NP,), jnp.float32),
          pltpu.VMEM((_NP,), jnp.float32),
          pltpu.VMEM((_QPT * _D * _L,), jnp.float32),
          pltpu.VMEM((_QPT * _D * _K,), jnp.float32),
          pltpu.VMEM((_QPT * _D * _K,), jnp.float32),
          pltpu.VMEM((_CAP,), jnp.float32),
          pltpu.VMEM((_CAP,), jnp.float32),
          pltpu.VMEM((_CAP,), jnp.float32),
      ],
  )(cloud_flat, q_rep)


def _tc_body(q, fc, nz, w1, b1, w2, b2, win_top, win_feat, bin_,
             wb0, bb0, wb1, bb1, wb2, bb2, wb3, bb3, wout, bout, out):
  h = jnp.maximum(jnp.dot(q[...], w1[...],
                          preferred_element_type=jnp.float32) + b1[...], 0.0)
  feat = jnp.dot(h, w2[...], preferred_element_type=jnp.float32) + b2[...]
  featc = jnp.dot(feat, win_feat[...],
                  preferred_element_type=jnp.float32)
  h0 = jnp.dot(fc[...], win_top[...],
               preferred_element_type=jnp.float32)
  featb = jnp.reshape(
      jnp.broadcast_to(featc[:, None, :], (_B * _P, _K, 128)),
      (_B * _P * _K, 128))
  hs = jnp.maximum(h0 + featb + bin_[...], 0.0)
  for w, bb in ((wb0, bb0), (wb1, bb1), (wb2, bb2), (wb3, bb3)):
    hs = hs + jnp.maximum(
        jnp.dot(hs, w[...], preferred_element_type=jnp.float32) + bb[...], 0.0)
  gp = jnp.dot(hs, wout[...], preferred_element_type=jnp.float32) + bout[...]
  diff = gp + nz[...]
  out[...] = (0.5 * 100.0 / (_B * _P * _K)) * jnp.sum(
      diff * diff, keepdims=True)


def kernel(pcl_noisy, fe_W1, fe_b1, fe_W2, fe_b2, sn_Win, sn_bin,
           sn_Wb0, sn_bb0, sn_Wb1, sn_bb1, sn_Wb2, sn_bb2, sn_Wb3, sn_bb3,
           sn_Wout, sn_bout):
  query = pcl_noisy[:, _PNT_IDX, :]
  cloud_flat = jnp.pad(jnp.transpose(pcl_noisy, (0, 2, 1)),
                       ((0, 0), (0, 0), (0, _NP - _N)),
                       constant_values=1e18).reshape(_B * _D * _NP)
  q_rep = jnp.broadcast_to(
      query.reshape(_B * _P, _D, 1), (_B * _P, _D, _L)).reshape(-1)

  fc, nz = _sc_knn(cloud_flat, q_rep)
  fc_rows = jnp.transpose(
      fc.reshape(_B * _P, _D, _K), (0, 2, 1)).reshape(_B * _P * _K, _D)
  nz_rows = jnp.transpose(
      nz.reshape(_B * _P, _D, _K), (0, 2, 1)).reshape(_B * _P * _K, _D)

  pad8 = lambda a: jnp.pad(a, ((0, 0), (0, 8 - _D)))
  q_rows = pad8(query.reshape(_B * _P, _D))
  fc_pad = pad8(fc_rows)
  w1p = jnp.pad(fe_W1, ((0, 8 - _D), (0, 0)))
  win_top = jnp.pad(sn_Win[:_D], ((0, 8 - _D), (0, 0)))
  win_feat = sn_Win[_D:]
  woutp = jnp.pad(sn_Wout, ((0, 0), (0, 8 - _D)))
  boutp = jnp.pad(sn_bout, ((0, 8 - _D),))
  nz_pad = pad8(nz_rows)
  row2 = lambda a: a.reshape(1, -1)

  loss = pl.pallas_call(
      _tc_body,
      out_shape=jax.ShapeDtypeStruct((1, 1), jnp.float32),
  )(q_rows, fc_pad, nz_pad, w1p, row2(fe_b1), fe_W2, row2(fe_b2),
    win_top, win_feat, row2(sn_bin), sn_Wb0, row2(sn_bb0), sn_Wb1,
    row2(sn_bb1), sn_Wb2, row2(sn_bb2), sn_Wb3, row2(sn_bb3),
    woutp, row2(boutp))
  return jnp.reshape(loss, ())

# --- scband reference (transcript-rebuilt; emitter-appended) ---
"""Pipeline reference for scband-denoise-net-51376398795475 (READ-ONLY COPY).

The authoritative reference and input builder live on the scoring server;
editing this copy changes nothing except your own understanding.
"""

import jax, jax.numpy as jnp
import numpy as np

FRAME_KNN = 16
NUM_TRAIN_POINTS = 64
NUM_SELFSUP_NBS = 8
DSM_SIGMA = 0.01
FEAT_DIM = 128
HIDDEN = 128
NUM_BLOCKS = 4
B, N, D = 4, 10000, 3


def setup_inputs(seed: int = 0) -> dict:
    key = jax.random.key(seed)
    ks = jax.random.split(key, 20)
    inp = {}
    inp["pcl_noisy"] = jax.random.normal(ks[0], (B, N, D), dtype=jnp.float32)
    inp["fe_W1"] = jax.random.normal(ks[1], (D, 64), dtype=jnp.float32) * 0.3
    inp["fe_b1"] = jnp.zeros((64,), dtype=jnp.float32)
    inp["fe_W2"] = jax.random.normal(ks[2], (64, FEAT_DIM), dtype=jnp.float32) * 0.1
    inp["fe_b2"] = jnp.zeros((FEAT_DIM,), dtype=jnp.float32)
    inp["sn_Win"] = jax.random.normal(ks[3], (D + FEAT_DIM, HIDDEN), dtype=jnp.float32) * 0.1
    inp["sn_bin"] = jnp.zeros((HIDDEN,), dtype=jnp.float32)
    for i in range(NUM_BLOCKS):
        inp["sn_Wb%d" % i] = jax.random.normal(ks[4 + i], (HIDDEN, HIDDEN), dtype=jnp.float32) * 0.05
        inp["sn_bb%d" % i] = jnp.zeros((HIDDEN,), dtype=jnp.float32)
    inp["sn_Wout"] = jax.random.normal(ks[10], (HIDDEN, D), dtype=jnp.float32) * 0.05
    inp["sn_bout"] = jnp.zeros((D,), dtype=jnp.float32)
    return inp


def _sqdist(q, p):
    qq = jnp.sum(q * q, axis=-1)
    pp = jnp.sum(p * p, axis=-1)
    qp = jnp.einsum('...qd,...nd->...qn', q, p)
    return qq[..., :, None] + pp[..., None, :] - 2.0 * qp


def reference(pcl_noisy, fe_W1, fe_b1, fe_W2, fe_b2, sn_Win, sn_bin,
              sn_Wb0, sn_bb0, sn_Wb1, sn_bb1, sn_Wb2, sn_bb2, sn_Wb3, sn_bb3,
              sn_Wout, sn_bout):
    b, n, d = pcl_noisy.shape
    pnt_idx = jnp.asarray(np.random.default_rng(0).permutation(n)[:NUM_TRAIN_POINTS])
    # FeatureExtraction: per-point MLP producing FEAT_DIM features
    h = jax.nn.relu(pcl_noisy @ fe_W1 + fe_b1)
    feat_all = h @ fe_W2 + fe_b2                      # (B, N, F)
    feat = feat_all[:, pnt_idx, :]                    # (B, P, F)
    query = pcl_noisy[:, pnt_idx, :]                  # (B, P, 3)
    # knn 1: frames = K nearest points to each training point
    d2 = _sqdist(query, pcl_noisy)                    # (B, P, N)
    _, idx1 = jax.lax.top_k(-d2, FRAME_KNN)           # (B, P, K)
    frames = jnp.take_along_axis(pcl_noisy[:, None, :, :], idx1[..., None], axis=2)  # (B,P,K,3)
    frames_centered = frames - query[:, :, None, :]
    # knn 2: self-supervised neighbors of every frame point in the full cloud
    d2b = _sqdist(frames, pcl_noisy[:, None, :, :])   # (B, P, K, N)
    _, idx2 = jax.lax.top_k(-d2b, NUM_SELFSUP_NBS)    # (B, P, K, M)
    selfsup_nbs = jnp.take_along_axis(pcl_noisy[:, None, None, :, :], idx2[..., None], axis=3)  # (B,P,K,M,3)
    noise_vecs = (frames[:, :, :, None, :] - selfsup_nbs).mean(axis=3)  # (B,P,K,3)
    # ScoreNet: condition each local frame on its feature vector
    c = jnp.broadcast_to(feat[:, :, None, :], (b, NUM_TRAIN_POINTS, FRAME_KNN, feat.shape[-1]))
    z = jnp.concatenate([frames_centered, c], axis=-1)
    hs = jax.nn.relu(z @ sn_Win + sn_bin)
    for W, bb in ((sn_Wb0, sn_bb0), (sn_Wb1, sn_bb1), (sn_Wb2, sn_bb2), (sn_Wb3, sn_bb3)):
        hs = hs + jax.nn.relu(hs @ W + bb)
    grad_pred = hs @ sn_Wout + sn_bout                # (B,P,K,3)
    grad_target = -1.0 * noise_vecs
    loss = 0.5 * (((grad_target - grad_pred) ** 2) * (1.0 / DSM_SIGMA)).sum(axis=-1).mean()
    return loss

if __name__ == "__main__":
    import jax
    _d = setup_inputs()
    print(jax.jit(kernel)(*tuple(_d.values())))

</pallas_src>

<mosaic_0001>
#map = affine_map<(d0, d1) -> (0)>
module attributes {stable_mosaic.version = 14 : i64} {
  func.func @_sc_knn_body(%arg0: i32, %arg1: i32, %arg2: memref<122880xf32, #tpu.memory_space<hbm>>, %arg3: memref<12288xf32, #tpu.memory_space<hbm>>, %arg4: memref<12288xf32, #tpu.memory_space<hbm>>, %arg5: memref<12288xf32, #tpu.memory_space<hbm>>, %arg6: memref<10240xf32, #tpu.memory_space<vmem>>, %arg7: memref<10240xf32, #tpu.memory_space<vmem>>, %arg8: memref<10240xf32, #tpu.memory_space<vmem>>, %arg9: memref<384xf32, #tpu.memory_space<vmem>>, %arg10: memref<384xf32, #tpu.memory_space<vmem>>, %arg11: memref<384xf32, #tpu.memory_space<vmem>>, %arg12: memref<4096xf32, #tpu.memory_space<vmem>>, %arg13: memref<4096xf32, #tpu.memory_space<vmem>>, %arg14: memref<4096xf32, #tpu.memory_space<vmem>>) attributes {dimension_semantics = [#tpu.dimension_semantics<core_parallel>, #tpu.dimension_semantics<subcore_parallel>], iteration_bounds = array<i64: 2, 16>, scalar_prefetch = 0 : i64, scratch_operands = 9 : i64, tpu.core_type = #tpu.core_type<sc_vector_subcore>, window_params = [{transform_indices = #map}, {transform_indices = #map}, {transform_indices = #map}, {transform_indices = #map}]} {
    %mul3A = arith.constant 16 : i32
    %mul3A_0 = arith.muli %arg0, %mul3A : i32
    %add3A = arith.addi %mul3A_0, %arg1 : i32
    %jit3A = arith.constant 8 : i32
    %div3A = arith.divsi %add3A, %jit3A : i32
    %sign3A = arith.constant 0 : i32
    %sign3A_1 = arith.cmpi sgt, %add3A, %sign3A : i32
    %sign3A_2 = arith.extui %sign3A_1 : i1 to i32
    %sign3A_3 = arith.constant 0 : i32
    %sign3A_4 = arith.cmpi slt, %add3A, %sign3A_3 : i32
    %sign3A_5 = arith.extui %sign3A_4 : i1 to i32
    %sign3A_6 = arith.subi %sign3A_2, %sign3A_5 : i32
    %sign3A_7 = arith.constant 0 : i32
    %sign3A_8 = arith.cmpi sgt, %jit3A, %sign3A_7 : i32
    %sign3A_9 = arith.extui %sign3A_8 : i1 to i32
    %sign3A_10 = arith.constant 0 : i32
    %sign3A_11 = arith.cmpi slt, %jit3A, %sign3A_10 : i32
    %sign3A_12 = arith.extui %sign3A_11 : i1 to i32
    %sign3A_13 = arith.subi %sign3A_9, %sign3A_12 : i32
    %ne3A = arith.cmpi ne, %sign3A_6, %sign3A_13 : i32
    %rem3A = arith.remsi %add3A, %jit3A : i32
    %ne3A_14 = arith.constant 0 : i32
    %ne3A_15 = arith.cmpi ne, %rem3A, %ne3A_14 : i32
    %and3A = arith.andi %ne3A, %ne3A_15 : i1
    %sub3A = arith.constant 1 : i32
    %sub3A_16 = arith.subi %div3A, %sub3A : i32
    %select_n3A = arith.select %and3A, %sub3A_16, %div3A : i32
    %mul3A_17 = arith.constant 3 : i32
    %mul3A_18 = arith.muli %select_n3A, %mul3A_17 : i32
    %add3A_19 = arith.constant 0 : i32
    %add3A_20 = arith.addi %mul3A_18, %add3A_19 : i32
    %mul3A_21 = arith.constant 10240 : i32
    %mul3A_22 = arith.muli %add3A_20, %mul3A_21 : i32
    "tpu.region"() ({
      %run_scoped3A = tpu.sem_alloc : memref<!tpu.dma_semaphore, #tpu.memory_space<semaphore_mem>>
      %dma_start3A = tpu.memref_slice %arg2[%mul3A_22] : memref<122880xf32, #tpu.memory_space<hbm>> -> memref<10240xf32, #tpu.memory_space<hbm>>
      %dma_start3A_56 = tpu.memref_slice %arg2[%mul3A_22] : memref<122880xf32, #tpu.memory_space<hbm>> -> memref<10240xf32, #tpu.memory_space<hbm>>
      tpu.enqueue_dma source(%dma_start3A_56 : memref<10240xf32, #tpu.memory_space<hbm>>) target(%arg6 : memref<10240xf32, #tpu.memory_space<vmem>>) target_semaphore(%run_scoped3A : memref<!tpu.dma_semaphore, #tpu.memory_space<semaphore_mem>>)
      %dma_wait3A = tpu.memref_slice %arg2[%mul3A_22] : memref<122880xf32, #tpu.memory_space<hbm>> -> memref<10240xf32, #tpu.memory_space<hbm>>
      %dma_wait3A_57 = tpu.memref_slice %arg2[%mul3A_22] : memref<122880xf32, #tpu.memory_space<hbm>> -> memref<10240xf32, #tpu.memory_space<hbm>>
      tpu.wait_dma2 semaphore(%run_scoped3A : memref<!tpu.dma_semaphore, #tpu.memory_space<semaphore_mem>>) src(%dma_wait3A_57 : memref<10240xf32, #tpu.memory_space<hbm>>) dst(%arg6 : memref<10240xf32, #tpu.memory_space<vmem>>)
      tpu.yield
    }) : () -> ()
    %mul3A_23 = arith.constant 3 : i32
    %mul3A_24 = arith.muli %select_n3A, %mul3A_23 : i32
    %add3A_25 = arith.constant 1 : i32
    %add3A_26 = arith.addi %mul3A_24, %add3A_25 : i32
    %mul3A_27 = arith.constant 10240 : i32
    %mul3A_28 = arith.muli %add3A_26, %mul3A_27 : i32
    "tpu.region"() ({
      %run_scoped3A = tpu.sem_alloc : memref<!tpu.dma_semaphore, #tpu.memory_space<semaphore_mem>>
      %dma_start3A = tpu.memref_slice %arg2[%mul3A_28] : memref<122880xf32, #tpu.memory_space<hbm>> -> memref<10240xf32, #tpu.memory_space<hbm>>
      %dma_start3A_56 = tpu.memref_slice %arg2[%mul3A_28] : memref<122880xf32, #tpu.memory_space<hbm>> -> memref<10240xf32, #tpu.memory_space<hbm>>
      tpu.enqueue_dma source(%dma_start3A_56 : memref<10240xf32, #tpu.memory_space<hbm>>) target(%arg7 : memref<10240xf32, #tpu.memory_space<vmem>>) target_semaphore(%run_scoped3A : memref<!tpu.dma_semaphore, #tpu.memory_space<semaphore_mem>>)
      %dma_wait3A = tpu.memref_slice %arg2[%mul3A_28] : memref<122880xf32, #tpu.memory_space<hbm>> -> memref<10240xf32, #tpu.memory_space<hbm>>
      %dma_wait3A_57 = tpu.memref_slice %arg2[%mul3A_28] : memref<122880xf32, #tpu.memory_space<hbm>> -> memref<10240xf32, #tpu.memory_space<hbm>>
      tpu.wait_dma2 semaphore(%run_scoped3A : memref<!tpu.dma_semaphore, #tpu.memory_space<semaphore_mem>>) src(%dma_wait3A_57 : memref<10240xf32, #tpu.memory_space<hbm>>) dst(%arg7 : memref<10240xf32, #tpu.memory_space<vmem>>)
      tpu.yield
    }) : () -> ()
    %mul3A_29 = arith.constant 3 : i32
    %mul3A_30 = arith.muli %select_n3A, %mul3A_29 : i32
    %add3A_31 = arith.constant 2 : i32
    %add3A_32 = arith.addi %mul3A_30, %add3A_31 : i32
    %mul3A_33 = arith.constant 10240 : i32
    %mul3A_34 = arith.muli %add3A_32, %mul3A_33 : i32
    "tpu.region"() ({
      %run_scoped3A = tpu.sem_alloc : memref<!tpu.dma_semaphore, #tpu.memory_space<semaphore_mem>>
      %dma_start3A = tpu.memref_slice %arg2[%mul3A_34] : memref<122880xf32, #tpu.memory_space<hbm>> -> memref<10240xf32, #tpu.memory_space<hbm>>
      %dma_start3A_56 = tpu.memref_slice %arg2[%mul3A_34] : memref<122880xf32, #tpu.memory_space<hbm>> -> memref<10240xf32, #tpu.memory_space<hbm>>
      tpu.enqueue_dma source(%dma_start3A_56 : memref<10240xf32, #tpu.memory_space<hbm>>) target(%arg8 : memref<10240xf32, #tpu.memory_space<vmem>>) target_semaphore(%run_scoped3A : memref<!tpu.dma_semaphore, #tpu.memory_space<semaphore_mem>>)
      %dma_wait3A = tpu.memref_slice %arg2[%mul3A_34] : memref<122880xf32, #tpu.memory_space<hbm>> -> memref<10240xf32, #tpu.memory_space<hbm>>
      %dma_wait3A_57 = tpu.memref_slice %arg2[%mul3A_34] : memref<122880xf32, #tpu.memory_space<hbm>> -> memref<10240xf32, #tpu.memory_space<hbm>>
      tpu.wait_dma2 semaphore(%run_scoped3A : memref<!tpu.dma_semaphore, #tpu.memory_space<semaphore_mem>>) src(%dma_wait3A_57 : memref<10240xf32, #tpu.memory_space<hbm>>) dst(%arg8 : memref<10240xf32, #tpu.memory_space<vmem>>)
      tpu.yield
    }) : () -> ()
    %mul3A_35 = arith.constant 8 : i32
    %mul3A_36 = arith.muli %add3A, %mul3A_35 : i32
    %mul3A_37 = arith.constant 3 : i32
    %mul3A_38 = arith.muli %mul3A_36, %mul3A_37 : i32
    %mul3A_39 = arith.constant 16 : i32
    %mul3A_40 = arith.muli %mul3A_38, %mul3A_39 : i32
    "tpu.region"() ({
      %run_scoped3A = tpu.sem_alloc : memref<!tpu.dma_semaphore, #tpu.memory_space<semaphore_mem>>
      %dma_start3A = tpu.memref_slice %arg3[%mul3A_40] : memref<12288xf32, #tpu.memory_space<hbm>> -> memref<384xf32, #tpu.memory_space<hbm>>
      %dma_start3A_56 = tpu.memref_slice %arg3[%mul3A_40] : memref<12288xf32, #tpu.memory_space<hbm>> -> memref<384xf32, #tpu.memory_space<hbm>>
      tpu.enqueue_dma source(%dma_start3A_56 : memref<384xf32, #tpu.memory_space<hbm>>) target(%arg9 : memref<384xf32, #tpu.memory_space<vmem>>) target_semaphore(%run_scoped3A : memref<!tpu.dma_semaphore, #tpu.memory_space<semaphore_mem>>)
      %dma_wait3A = tpu.memref_slice %arg3[%mul3A_40] : memref<12288xf32, #tpu.memory_space<hbm>> -> memref<384xf32, #tpu.memory_space<hbm>>
      %dma_wait3A_57 = tpu.memref_slice %arg3[%mul3A_40] : memref<12288xf32, #tpu.memory_space<hbm>> -> memref<384xf32, #tpu.memory_space<hbm>>
      tpu.wait_dma2 semaphore(%run_scoped3A : memref<!tpu.dma_semaphore, #tpu.memory_space<semaphore_mem>>) src(%dma_wait3A_57 : memref<384xf32, #tpu.memory_space<hbm>>) dst(%arg9 : memref<384xf32, #tpu.memory_space<vmem>>)
      tpu.yield
    }) : () -> ()
    %iota3A = tpu.iota {dimensions = array<i32: 0>} : vector<16xi32>
    %lt3A = arith.constant 8 : i32
    %lt3A_41 = vector.broadcast %lt3A : i32 to vector<16xi32>
    %lt3A_42 = arith.cmpi slt, %iota3A, %lt3A_41 : vector<16xi32>
    %broadcast_in_dim3A = arith.constant 9.99999984E+17 : f32
    %broadcast_in_dim3A_43 = vector.broadcast %broadcast_in_dim3A : f32 to vector<16xf32>
    %scan3A = arith.constant 0 : i32
    %scan3A_44 = arith.constant 0 : i32
    %scan3A_45 = arith.constant 8 : i32
    %scan3A_46 = arith.addi %scan3A_44, %scan3A_45 : i32
    %scan3A_47 = arith.constant 1 : i32
    %scan3A_48 = scf.for %scan3A_56 = %scan3A_44 to %scan3A_46 step %scan3A_47 iter_args(%scan3A_57 = %scan3A) -> (i32)  : i32 {
      %mul3A_58 = arith.constant 3 : i32
      %mul3A_59 = arith.muli %scan3A_56, %mul3A_58 : i32
      %mul3A_60 = arith.constant 16 : i32
      %mul3A_61 = arith.muli %mul3A_59, %mul3A_60 : i32
      %get3A = arith.index_cast %mul3A_61 : i32 to index
      %get3A_62 = tpu.vector_load %arg9[%get3A] {strides = array<i32>} : memref<384xf32, #tpu.memory_space<vmem>>, vector<16xf32>,
      %add3A_63 = arith.constant 16 : i32
      %add3A_64 = arith.addi %mul3A_61, %add3A_63 : i32
      %get3A_65 = arith.index_cast %add3A_64 : i32 to index
      %get3A_66 = tpu.vector_load %arg9[%get3A_65] {strides = array<i32>} : memref<384xf32, #tpu.memory_space<vmem>>, vector<16xf32>,
      %add3A_67 = arith.constant 32 : i32
      %add3A_68 = arith.addi %mul3A_61, %add3A_67 : i32
      %get3A_69 = arith.index_cast %add3A_68 : i32 to index
      %get3A_70 = tpu.vector_load %arg9[%get3A_69] {strides = array<i32>} : memref<384xf32, #tpu.memory_space<vmem>>, vector<16xf32>,
      %iota3A_71 = tpu.iota {dimensions = array<i32: 0>} : vector<16xi32>
      %broadcast_in_dim3A_72 = arith.constant 0x7F800000 : f32
      %broadcast_in_dim3A_73 = vector.broadcast %broadcast_in_dim3A_72 : f32 to vector<16xf32>
      %broadcast_in_dim3A_74 = arith.constant 0 : i32
      %broadcast_in_dim3A_75 = vector.broadcast %broadcast_in_dim3A_74 : i32 to vector<16xi32>
      %broadcast_in_dim3A_76 = arith.constant 0x7F800000 : f32
      %broadcast_in_dim3A_77 = vector.broadcast %broadcast_in_dim3A_76 : f32 to vector<16xf32>
      %scan3A_78 = arith.constant 0 : i32
      %scan3A_79 = arith.constant 160 : i32
      %scan3A_80 = arith.addi %scan3A_78, %scan3A_79 : i32
      %scan3A_81 = arith.constant 1 : i32
      %scan3A_82:3 = scf.for %scan3A_164 = %scan3A_78 to %scan3A_80 step %scan3A_81 iter_args(%scan3A_165 = %broadcast_in_dim3A_73, %scan3A_166 = %broadcast_in_dim3A_75, %scan3A_167 = %broadcast_in_dim3A_77) -> (vector<16xf32>, vector<16xi32>, vector<16xf32>)  : i32 {
        %mul3A_168 = arith.constant 64 : i32
        %mul3A_169 = arith.muli %scan3A_164, %mul3A_168 : i32
        %add3A_170 = arith.constant 0 : i32
        %add3A_171 = arith.addi %mul3A_169, %add3A_170 : i32
        %get3A_172 = arith.index_cast %add3A_171 : i32 to index
        %get3A_173 = tpu.vector_load %arg6[%get3A_172] {strides = array<i32>} : memref<10240xf32, #tpu.memory_space<vmem>>, vector<16xf32>,
        %get3A_174 = arith.index_cast %add3A_171 : i32 to index
        %get3A_175 = tpu.vector_load %arg7[%get3A_174] {strides = array<i32>} : memref<10240xf32, #tpu.memory_space<vmem>>, vector<16xf32>,
        %get3A_176 = arith.index_cast %add3A_171 : i32 to index
        %get3A_177 = tpu.vector_load %arg8[%get3A_176] {strides = array<i32>} : memref<10240xf32, #tpu.memory_space<vmem>>, vector<16xf32>,
        %sub3A_178 = arith.subf %get3A_173, %get3A_62 : vector<16xf32>
        %sub3A_179 = arith.subf %get3A_175, %get3A_66 : vector<16xf32>
        %sub3A_180 = arith.subf %get3A_177, %get3A_70 : vector<16xf32>
        %mul3A_181 = arith.mulf %sub3A_178, %sub3A_178 : vector<16xf32>
        %mul3A_182 = arith.mulf %sub3A_179, %sub3A_179 : vector<16xf32>
        %add3A_183 = arith.addf %mul3A_181, %mul3A_182 : vector<16xf32>
        %mul3A_184 = arith.mulf %sub3A_180, %sub3A_180 : vector<16xf32>
        %add3A_185 = arith.addf %add3A_183, %mul3A_184 : vector<16xf32>
        %lt3A_186 = arith.cmpf olt, %add3A_185, %scan3A_167 : vector<16xf32>
        %add3A_187 = arith.constant 16 : i32
        %add3A_188 = arith.addi %mul3A_169, %add3A_187 : i32
        %get3A_189 = arith.index_cast %add3A_188 : i32 to index
        %get3A_190 = tpu.vector_load %arg6[%get3A_189] {strides = array<i32>} : memref<10240xf32, #tpu.memory_space<vmem>>, vector<16xf32>,
        %get3A_191 = arith.index_cast %add3A_188 : i32 to index
        %get3A_192 = tpu.vector_load %arg7[%get3A_191] {strides = array<i32>} : memref<10240xf32, #tpu.memory_space<vmem>>, vector<16xf32>,
        %get3A_193 = arith.index_cast %add3A_188 : i32 to index
        %get3A_194 = tpu.vector_load %arg8[%get3A_193] {strides = array<i32>} : memref<10240xf32, #tpu.memory_space<vmem>>, vector<16xf32>,
        %sub3A_195 = arith.subf %get3A_190, %get3A_62 : vector<16xf32>
        %sub3A_196 = arith.subf %get3A_192, %get3A_66 : vector<16xf32>
        %sub3A_197 = arith.subf %get3A_194, %get3A_70 : vector<16xf32>
        %mul3A_198 = arith.mulf %sub3A_195, %sub3A_195 : vector<16xf32>
        %mul3A_199 = arith.mulf %sub3A_196, %sub3A_196 : vector<16xf32>
        %add3A_200 = arith.addf %mul3A_198, %mul3A_199 : vector<16xf32>
        %mul3A_201 = arith.mulf %sub3A_197, %sub3A_197 : vector<16xf32>
        %add3A_202 = arith.addf %add3A_200, %mul3A_201 : vector<16xf32>
        %lt3A_203 = arith.cmpf olt, %add3A_202, %scan3A_167 : vector<16xf32>
        %or3A = arith.ori %lt3A_186, %lt3A_203 : vector<16xi1>
        %add3A_204 = arith.constant 32 : i32
        %add3A_205 = arith.addi %mul3A_169, %add3A_204 : i32
        %get3A_206 = arith.index_cast %add3A_205 : i32 to index
        %get3A_207 = tpu.vector_load %arg6[%get3A_206] {strides = array<i32>} : memref<10240xf32, #tpu.memory_space<vmem>>, vector<16xf32>,
        %get3A_208 = arith.index_cast %add3A_205 : i32 to index
        %get3A_209 = tpu.vector_load %arg7[%get3A_208] {strides = array<i32>} : memref<10240xf32, #tpu.memory_space<vmem>>, vector<16xf32>,
        %get3A_210 = arith.index_cast %add3A_205 : i32 to index
        %get3A_211 = tpu.vector_load %arg8[%get3A_210] {strides = array<i32>} : memref<10240xf32, #tpu.memory_space<vmem>>, vector<16xf32>,
        %sub3A_212 = arith.subf %get3A_207, %get3A_62 : vector<16xf32>
        %sub3A_213 = arith.subf %get3A_209, %get3A_66 : vector<16xf32>
        %sub3A_214 = arith.subf %get3A_211, %get3A_70 : vector<16xf32>
        %mul3A_215 = arith.mulf %sub3A_212, %sub3A_212 : vector<16xf32>
        %mul3A_216 = arith.mulf %sub3A_213, %sub3A_213 : vector<16xf32>
        %add3A_217 = arith.addf %mul3A_215, %mul3A_216 : vector<16xf32>
        %mul3A_218 = arith.mulf %sub3A_214, %sub3A_214 : vector<16xf32>
        %add3A_219 = arith.addf %add3A_217, %mul3A_218 : vector<16xf32>
        %lt3A_220 = arith.cmpf olt, %add3A_219, %scan3A_167 : vector<16xf32>
        %or3A_221 = arith.ori %or3A, %lt3A_220 : vector<16xi1>
        %add3A_222 = arith.constant 48 : i32
        %add3A_223 = arith.addi %mul3A_169, %add3A_222 : i32
        %get3A_224 = arith.index_cast %add3A_223 : i32 to index
        %get3A_225 = tpu.vector_load %arg6[%get3A_224] {strides = array<i32>} : memref<10240xf32, #tpu.memory_space<vmem>>, vector<16xf32>,
        %get3A_226 = arith.index_cast %add3A_223 : i32 to index
        %get3A_227 = tpu.vector_load %arg7[%get3A_226] {strides = array<i32>} : memref<10240xf32, #tpu.memory_space<vmem>>, vector<16xf32>,
        %get3A_228 = arith.index_cast %add3A_223 : i32 to index
        %get3A_229 = tpu.vector_load %arg8[%get3A_228] {strides = array<i32>} : memref<10240xf32, #tpu.memory_space<vmem>>, vector<16xf32>,
        %sub3A_230 = arith.subf %get3A_225, %get3A_62 : vector<16xf32>
        %sub3A_231 = arith.subf %get3A_227, %get3A_66 : vector<16xf32>
        %sub3A_232 = arith.subf %get3A_229, %get3A_70 : vector<16xf32>
        %mul3A_233 = arith.mulf %sub3A_230, %sub3A_230 : vector<16xf32>
        %mul3A_234 = arith.mulf %sub3A_231, %sub3A_231 : vector<16xf32>
        %add3A_235 = arith.addf %mul3A_233, %mul3A_234 : vector<16xf32>
        %mul3A_236 = arith.mulf %sub3A_232, %sub3A_232 : vector<16xf32>
        %add3A_237 = arith.addf %add3A_235, %mul3A_236 : vector<16xf32>
        %lt3A_238 = arith.cmpf olt, %add3A_237, %scan3A_167 : vector<16xf32>
        %or3A_239 = arith.ori %or3A_221, %lt3A_238 : vector<16xi1>
        %all_reduce_population_count3A = tpu.all_reduce %or3A_239 {dim = 0 : i64, kind = #tpu.reduction_kind<sum>} : vector<16xi1> -> vector<16xi32>
        %slice3A_240 = vector.extract_strided_slice %all_reduce_population_count3A {offsets = [0], sizes = [1], strides = [1]} : vector<16xi32> to vector<1xi32>
        %squeeze3A_241 = vector.extract %slice3A_240[0] : i32 from vector<1xi32>
        %gt3A = arith.constant 0 : i32
        %gt3A_242 = arith.cmpi sgt, %squeeze3A_241, %gt3A : i32
        %convert_element_type3A = arith.extui %gt3A_242 : i1 to i32
        %cond3A = arith.constant 0 : i32
        %cond3A_243 = arith.cmpi ne, %convert_element_type3A, %cond3A : i32
        %cond3A_244:3 = scf.if %cond3A_243 -> (vector<16xf32>, vector<16xi32>, vector<16xf32>) {
          %lt3A_245 = arith.cmpf olt, %add3A_185, %scan3A_167 : vector<16xf32>
          %all_reduce_population_count3A_246 = tpu.all_reduce %lt3A_245 {dim = 0 : i64, kind = #tpu.reduction_kind<sum>} : vector<16xi1> -> vector<16xi32>
          %slice3A_247 = vector.extract_strided_slice %all_reduce_population_count3A_246 {offsets = [0], sizes = [1], strides = [1]} : vector<16xi32> to vector<1xi32>
          %squeeze3A_248 = vector.extract %slice3A_247[0] : i32 from vector<1xi32>
          %gt3A_249 = arith.constant 0 : i32
          %gt3A_250 = arith.cmpi sgt, %squeeze3A_248, %gt3A_249 : i32
          %convert_element_type3A_251 = arith.extui %gt3A_250 : i1 to i32
          %cond3A_252 = arith.constant 0 : i32
          %cond3A_253 = arith.cmpi ne, %convert_element_type3A_251, %cond3A_252 : i32
          %cond3A_254:3 = scf.if %cond3A_253 -> (vector<16xf32>, vector<16xi32>, vector<16xf32>) {
            %add3A_285 = arith.constant 0 : i32
            %add3A_286 = arith.addi %mul3A_169, %add3A_285 : i32
            %add3A_287 = vector.broadcast %add3A_286 : i32 to vector<16xi32>
            %add3A_288 = arith.addi %add3A_287, %iota3A_71 : vector<16xi32>
            %masked_sort3A = arith.constant dense<true> : vector<16xi1>
            %masked_sort3A_289, %masked_sort3A_290, %masked_sort3A_291 = tpu.sort %add3A_185, %add3A_288 masked %masked_sort3A : (vector<16xf32>, vector<16xi32>, vector<16xi1>) -> (vector<16xi1>, vector<16xf32>, vector<16xi32>)
            %rev3A = arith.constant 15 : i32
            %rev3A_292 = vector.broadcast %rev3A : i32 to vector<16xi32>
            %rev3A_293 = tpu.iota {dimensions = array<i32: 0>} : vector<16xi32>
            %rev3A_294 = arith.subi %rev3A_292, %rev3A_293 : vector<16xi32>
            %rev3A_295 = tpu.dynamic_gather %scan3A_165[%rev3A_294] in [0] : vector<16xf32>, vector<16xi32> -> vector<16xf32>
            %rev3A_296 = arith.constant 15 : i32
            %rev3A_297 = vector.broadcast %rev3A_296 : i32 to vector<16xi32>
            %rev3A_298 = tpu.iota {dimensions = array<i32: 0>} : vector<16xi32>
            %rev3A_299 = arith.subi %rev3A_297, %rev3A_298 : vector<16xi32>
            %rev3A_300 = tpu.dynamic_gather %scan3A_166[%rev3A_299] in [0] : vector<16xi32>, vector<16xi32> -> vector<16xi32>
            %lt3A_301 = arith.cmpf olt, %masked_sort3A_290, %rev3A_295 : vector<16xf32>
            %select_n3A_302 = arith.select %lt3A_301, %masked_sort3A_290, %rev3A_295 : vector<16xi1>, vector<16xf32>
            %select_n3A_303 = arith.select %lt3A_301, %masked_sort3A_291, %rev3A_300 : vector<16xi1>, vector<16xi32>
            %masked_sort3A_304 = arith.constant dense<true> : vector<16xi1>
            %masked_sort3A_305, %masked_sort3A_306, %masked_sort3A_307 = tpu.sort %select_n3A_302, %select_n3A_303 masked %masked_sort3A_304 : (vector<16xf32>, vector<16xi32>, vector<16xi1>) -> (vector<16xi1>, vector<16xf32>, vector<16xi32>)
            %slice3A_308 = vector.extract_strided_slice %masked_sort3A_306 {offsets = [15], sizes = [1], strides = [1]} : vector<16xf32> to vector<1xf32>
            %squeeze3A_309 = vector.extract %slice3A_308[0] : f32 from vector<1xf32>
            %broadcast_in_dim3A_310 = vector.broadcast %squeeze3A_309 : f32 to vector<16xf32>
            scf.yield %masked_sort3A_306, %masked_sort3A_307, %broadcast_in_dim3A_310 : vector<16xf32>, vector<16xi32>, vector<16xf32>
          } else {
            scf.yield %scan3A_165, %scan3A_166, %scan3A_167 : vector<16xf32>, vector<16xi32>, vector<16xf32>
          }
          %lt3A_255 = arith.cmpf olt, %add3A_202, %cond3A_254#2 : vector<16xf32>
          %all_reduce_population_count3A_256 = tpu.all_reduce %lt3A_255 {dim = 0 : i64, kind = #tpu.reduction_kind<sum>} : vector<16xi1> -> vector<16xi32>
          %slice3A_257 = vector.extract_strided_slice %all_reduce_population_count3A_256 {offsets = [0], sizes = [1], strides = [1]} : vector<16xi32> to vector<1xi32>
          %squeeze3A_258 = vector.extract %slice3A_257[0] : i32 from vector<1xi32>
          %gt3A_259 = arith.constant 0 : i32
          %gt3A_260 = arith.cmpi sgt, %squeeze3A_258, %gt3A_259 : i32
          %convert_element_type3A_261 = arith.extui %gt3A_260 : i1 to i32
          %cond3A_262 = arith.constant 0 : i32
          %cond3A_263 = arith.cmpi ne, %convert_element_type3A_261, %cond3A_262 : i32
          %cond3A_264:3 = scf.if %cond3A_263 -> (vector<16xf32>, vector<16xi32>, vector<16xf32>) {
            %add3A_285 = arith.constant 16 : i32
            %add3A_286 = arith.addi %mul3A_169, %add3A_285 : i32
            %add3A_287 = vector.broadcast %add3A_286 : i32 to vector<16xi32>
            %add3A_288 = arith.addi %add3A_287, %iota3A_71 : vector<16xi32>
            %masked_sort3A = arith.constant dense<true> : vector<16xi1>
            %masked_sort3A_289, %masked_sort3A_290, %masked_sort3A_291 = tpu.sort %add3A_202, %add3A_288 masked %masked_sort3A : (vector<16xf32>, vector<16xi32>, vector<16xi1>) -> (vector<16xi1>, vector<16xf32>, vector<16xi32>)
            %rev3A = arith.constant 15 : i32
            %rev3A_292 = vector.broadcast %rev3A : i32 to vector<16xi32>
            %rev3A_293 = tpu.iota {dimensions = array<i32: 0>} : vector<16xi32>
            %rev3A_294 = arith.subi %rev3A_292, %rev3A_293 : vector<16xi32>
            %rev3A_295 = tpu.dynamic_gather %cond3A_254#0[%rev3A_294] in [0] : vector<16xf32>, vector<16xi32> -> vector<16xf32>
            %rev3A_296 = arith.constant 15 : i32
            %rev3A_297 = vector.broadcast %rev3A_296 : i32 to vector<16xi32>
            %rev3A_298 = tpu.iota {dimensions = array<i32: 0>} : vector<16xi32>
            %rev3A_299 = arith.subi %rev3A_297, %rev3A_298 : vector<16xi32>
            %rev3A_300 = tpu.dynamic_gather %cond3A_254#1[%rev3A_299] in [0] : vector<16xi32>, vector<16xi32> -> vector<16xi32>
            %lt3A_301 = arith.cmpf olt, %masked_sort3A_290, %rev3A_295 : vector<16xf32>
            %select_n3A_302 = arith.select %lt3A_301, %masked_sort3A_290, %rev3A_295 : vector<16xi1>, vector<16xf32>
            %select_n3A_303 = arith.select %lt3A_301, %masked_sort3A_291, %rev3A_300 : vector<16xi1>, vector<16xi32>
            %masked_sort3A_304 = arith.constant dense<true> : vector<16xi1>
            %masked_sort3A_305, %masked_sort3A_306, %masked_sort3A_307 = tpu.sort %select_n3A_302, %select_n3A_303 masked %masked_sort3A_304 : (vector<16xf32>, vector<16xi32>, vector<16xi1>) -> (vector<16xi1>, vector<16xf32>, vector<16xi32>)
            %slice3A_308 = vector.extract_strided_slice %masked_sort3A_306 {offsets = [15], sizes = [1], strides = [1]} : vector<16xf32> to vector<1xf32>
            %squeeze3A_309 = vector.extract %slice3A_308[0] : f32 from vector<1xf32>
            %broadcast_in_dim3A_310 = vector.broadcast %squeeze3A_309 : f32 to vector<16xf32>
            scf.yield %masked_sort3A_306, %masked_sort3A_307, %broadcast_in_dim3A_310 : vector<16xf32>, vector<16xi32>, vector<16xf32>
          } else {
            scf.yield %cond3A_254#0, %cond3A_254#1, %cond3A_254#2 : vector<16xf32>, vector<16xi32>, vector<16xf32>
          }
          %lt3A_265 = arith.cmpf olt, %add3A_219, %cond3A_264#2 : vector<16xf32>
          %all_reduce_population_count3A_266 = tpu.all_reduce %lt3A_265 {dim = 0 : i64, kind = #tpu.reduction_kind<sum>} : vector<16xi1> -> vector<16xi32>
          %slice3A_267 = vector.extract_strided_slice %all_reduce_population_count3A_266 {offsets = [0], sizes = [1], strides = [1]} : vector<16xi32> to vector<1xi32>
          %squeeze3A_268 = vector.extract %slice3A_267[0] : i32 from vector<1xi32>
          %gt3A_269 = arith.constant 0 : i32
          %gt3A_270 = arith.cmpi sgt, %squeeze3A_268, %gt3A_269 : i32
          %convert_element_type3A_271 = arith.extui %gt3A_270 : i1 to i32
          %cond3A_272 = arith.constant 0 : i32
          %cond3A_273 = arith.cmpi ne, %convert_element_type3A_271, %cond3A_272 : i32
          %cond3A_274:3 = scf.if %cond3A_273 -> (vector<16xf32>, vector<16xi32>, vector<16xf32>) {
            %add3A_285 = arith.constant 32 : i32
            %add3A_286 = arith.addi %mul3A_169, %add3A_285 : i32
            %add3A_287 = vector.broadcast %add3A_286 : i32 to vector<16xi32>
            %add3A_288 = arith.addi %add3A_287, %iota3A_71 : vector<16xi32>
            %masked_sort3A = arith.constant dense<true> : vector<16xi1>
            %masked_sort3A_289, %masked_sort3A_290, %masked_sort3A_291 = tpu.sort %add3A_219, %add3A_288 masked %masked_sort3A : (vector<16xf32>, vector<16xi32>, vector<16xi1>) -> (vector<16xi1>, vector<16xf32>, vector<16xi32>)
            %rev3A = arith.constant 15 : i32
            %rev3A_292 = vector.broadcast %rev3A : i32 to vector<16xi32>
            %rev3A_293 = tpu.iota {dimensions = array<i32: 0>} : vector<16xi32>
            %rev3A_294 = arith.subi %rev3A_292, %rev3A_293 : vector<16xi32>
            %rev3A_295 = tpu.dynamic_gather %cond3A_264#0[%rev3A_294] in [0] : vector<16xf32>, vector<16xi32> -> vector<16xf32>
            %rev3A_296 = arith.constant 15 : i32
            %rev3A_297 = vector.broadcast %rev3A_296 : i32 to vector<16xi32>
            %rev3A_298 = tpu.iota {dimensions = array<i32: 0>} : vector<16xi32>
            %rev3A_299 = arith.subi %rev3A_297, %rev3A_298 : vector<16xi32>
            %rev3A_300 = tpu.dynamic_gather %cond3A_264#1[%rev3A_299] in [0] : vector<16xi32>, vector<16xi32> -> vector<16xi32>
            %lt3A_301 = arith.cmpf olt, %masked_sort3A_290, %rev3A_295 : vector<16xf32>
            %select_n3A_302 = arith.select %lt3A_301, %masked_sort3A_290, %rev3A_295 : vector<16xi1>, vector<16xf32>
            %select_n3A_303 = arith.select %lt3A_301, %masked_sort3A_291, %rev3A_300 : vector<16xi1>, vector<16xi32>
            %masked_sort3A_304 = arith.constant dense<true> : vector<16xi1>
            %masked_sort3A_305, %masked_sort3A_306, %masked_sort3A_307 = tpu.sort %select_n3A_302, %select_n3A_303 masked %masked_sort3A_304 : (vector<16xf32>, vector<16xi32>, vector<16xi1>) -> (vector<16xi1>, vector<16xf32>, vector<16xi32>)
            %slice3A_308 = vector.extract_strided_slice %masked_sort3A_306 {offsets = [15], sizes = [1], strides = [1]} : vector<16xf32> to vector<1xf32>
            %squeeze3A_309 = vector.extract %slice3A_308[0] : f32 from vector<1xf32>
            %broadcast_in_dim3A_310 = vector.broadcast %squeeze3A_309 : f32 to vector<16xf32>
            scf.yield %masked_sort3A_306, %masked_sort3A_307, %broadcast_in_dim3A_310 : vector<16xf32>, vector<16xi32>, vector<16xf32>
          } else {
            scf.yield %cond3A_264#0, %cond3A_264#1, %cond3A_264#2 : vector<16xf32>, vector<16xi32>, vector<16xf32>
          }
          %lt3A_275 = arith.cmpf olt, %add3A_237, %cond3A_274#2 : vector<16xf32>
          %all_reduce_population_count3A_276 = tpu.all_reduce %lt3A_275 {dim = 0 : i64, kind = #tpu.reduction_kind<sum>} : vector<16xi1> -> vector<16xi32>
          %slice3A_277 = vector.extract_strided_slice %all_reduce_population_count3A_276 {offsets = [0], sizes = [1], strides = [1]} : vector<16xi32> to vector<1xi32>
          %squeeze3A_278 = vector.extract %slice3A_277[0] : i32 from vector<1xi32>
          %gt3A_279 = arith.constant 0 : i32
          %gt3A_280 = arith.cmpi sgt, %squeeze3A_278, %gt3A_279 : i32
          %convert_element_type3A_281 = arith.extui %gt3A_280 : i1 to i32
          %cond3A_282 = arith.constant 0 : i32
          %cond3A_283 = arith.cmpi ne, %convert_element_type3A_281, %cond3A_282 : i32
          %cond3A_284:3 = scf.if %cond3A_283 -> (vector<16xf32>, vector<16xi32>, vector<16xf32>) {
            %add3A_285 = arith.constant 48 : i32
            %add3A_286 = arith.addi %mul3A_169, %add3A_285 : i32
            %add3A_287 = vector.broadcast %add3A_286 : i32 to vector<16xi32>
            %add3A_288 = arith.addi %add3A_287, %iota3A_71 : vector<16xi32>
            %masked_sort3A = arith.constant dense<true> : vector<16xi1>
            %masked_sort3A_289, %masked_sort3A_290, %masked_sort3A_291 = tpu.sort %add3A_237, %add3A_288 masked %masked_sort3A : (vector<16xf32>, vector<16xi32>, vector<16xi1>) -> (vector<16xi1>, vector<16xf32>, vector<16xi32>)
            %rev3A = arith.constant 15 : i32
            %rev3A_292 = vector.broadcast %rev3A : i32 to vector<16xi32>
            %rev3A_293 = tpu.iota {dimensions = array<i32: 0>} : vector<16xi32>
            %rev3A_294 = arith.subi %rev3A_292, %rev3A_293 : vector<16xi32>
            %rev3A_295 = tpu.dynamic_gather %cond3A_274#0[%rev3A_294] in [0] : vector<16xf32>, vector<16xi32> -> vector<16xf32>
            %rev3A_296 = arith.constant 15 : i32
            %rev3A_297 = vector.broadcast %rev3A_296 : i32 to vector<16xi32>
            %rev3A_298 = tpu.iota {dimensions = array<i32: 0>} : vector<16xi32>
            %rev3A_299 = arith.subi %rev3A_297, %rev3A_298 : vector<16xi32>
            %rev3A_300 = tpu.dynamic_gather %cond3A_274#1[%rev3A_299] in [0] : vector<16xi32>, vector<16xi32> -> vector<16xi32>
            %lt3A_301 = arith.cmpf olt, %masked_sort3A_290, %rev3A_295 : vector<16xf32>
            %select_n3A_302 = arith.select %lt3A_301, %masked_sort3A_290, %rev3A_295 : vector<16xi1>, vector<16xf32>
            %select_n3A_303 = arith.select %lt3A_301, %masked_sort3A_291, %rev3A_300 : vector<16xi1>, vector<16xi32>
            %masked_sort3A_304 = arith.constant dense<true> : vector<16xi1>
            %masked_sort3A_305, %masked_sort3A_306, %masked_sort3A_307 = tpu.sort %select_n3A_302, %select_n3A_303 masked %masked_sort3A_304 : (vector<16xf32>, vector<16xi32>, vector<16xi1>) -> (vector<16xi1>, vector<16xf32>, vector<16xi32>)
            %slice3A_308 = vector.extract_strided_slice %masked_sort3A_306 {offsets = [15], sizes = [1], strides = [1]} : vector<16xf32> to vector<1xf32>
            %squeeze3A_309 = vector.extract %slice3A_308[0] : f32 from vector<1xf32>
            %broadcast_in_dim3A_310 = vector.broadcast %squeeze3A_309 : f32 to vector<16xf32>
            scf.yield %masked_sort3A_306, %masked_sort3A_307, %broadcast_in_dim3A_310 : vector<16xf32>, vector<16xi32>, vector<16xf32>
          } else {
            scf.yield %cond3A_274#0, %cond3A_274#1, %cond3A_274#2 : vector<16xf32>, vector<16xi32>, vector<16xf32>
          }
          scf.yield %cond3A_284#0, %cond3A_284#1, %cond3A_284#2 : vector<16xf32>, vector<16xi32>, vector<16xf32>
        } else {
          scf.yield %scan3A_165, %scan3A_166, %scan3A_167 : vector<16xf32>, vector<16xi32>, vector<16xf32>
        }
        scf.yield %cond3A_244#0, %cond3A_244#1, %cond3A_244#2 : vector<16xf32>, vector<16xi32>, vector<16xf32>
      }
      %scan3A_83 = arith.constant 160 : i32
      %gather3A = tpu.vector_load_idx %arg6[%scan3A_82#1] : memref<10240xf32, #tpu.memory_space<vmem>>[vector<16xi32>], vector<16xf32>,
      %gather3A_84 = tpu.vector_load_idx %arg7[%scan3A_82#1] : memref<10240xf32, #tpu.memory_space<vmem>>[vector<16xi32>], vector<16xf32>,
      %gather3A_85 = tpu.vector_load_idx %arg8[%scan3A_82#1] : memref<10240xf32, #tpu.memory_space<vmem>>[vector<16xi32>], vector<16xf32>,
      %sub3A_86 = arith.subf %gather3A, %get3A_62 : vector<16xf32>
      %swap3A = arith.index_cast %mul3A_61 : i32 to index
      %swap3A_87 = tpu.vector_load %arg10[%swap3A] {strides = array<i32>} : memref<384xf32, #tpu.memory_space<vmem>>, vector<16xf32>,
      tpu.vector_store %arg10[%swap3A], %sub3A_86 {strides = array<i32>} : memref<384xf32, #tpu.memory_space<vmem>>, vector<16xf32>,
      %sub3A_88 = arith.subf %gather3A_84, %get3A_66 : vector<16xf32>
      %add3A_89 = arith.constant 16 : i32
      %add3A_90 = arith.addi %mul3A_61, %add3A_89 : i32
      %swap3A_91 = arith.index_cast %add3A_90 : i32 to index
      %swap3A_92 = tpu.vector_load %arg10[%swap3A_91] {strides = array<i32>} : memref<384xf32, #tpu.memory_space<vmem>>, vector<16xf32>,
      tpu.vector_store %arg10[%swap3A_91], %sub3A_88 {strides = array<i32>} : memref<384xf32, #tpu.memory_space<vmem>>, vector<16xf32>,
      %sub3A_93 = arith.subf %gather3A_85, %get3A_70 : vector<16xf32>
      %add3A_94 = arith.constant 32 : i32
      %add3A_95 = arith.addi %mul3A_61, %add3A_94 : i32
      %swap3A_96 = arith.index_cast %add3A_95 : i32 to index
      %swap3A_97 = tpu.vector_load %arg10[%swap3A_96] {strides = array<i32>} : memref<384xf32, #tpu.memory_space<vmem>>, vector<16xf32>,
      tpu.vector_store %arg10[%swap3A_96], %sub3A_93 {strides = array<i32>} : memref<384xf32, #tpu.memory_space<vmem>>, vector<16xf32>,
      %slice3A = vector.extract_strided_slice %scan3A_82#0 {offsets = [15], sizes = [1], strides = [1]} : vector<16xf32> to vector<1xf32>
      %squeeze3A = vector.extract %slice3A[0] : f32 from vector<1xf32>
      %mul3A_98 = arith.constant 5.000000e+00 : f32
      %mul3A_99 = arith.mulf %mul3A_98, %squeeze3A : f32
      %broadcast_in_dim3A_100 = vector.broadcast %mul3A_99 : f32 to vector<16xf32>
      %scan3A_101 = arith.constant 0 : i32
      %scan3A_102 = arith.constant 0 : i32
      %scan3A_103 = arith.constant 256 : i32
      %scan3A_104 = arith.addi %scan3A_102, %scan3A_103 : i32
      %scan3A_105 = arith.constant 1 : i32
      %scan3A_106 = scf.for %scan3A_164 = %scan3A_102 to %scan3A_104 step %scan3A_105 iter_args(%scan3A_165 = %scan3A_101) -> (i32)  : i32 {
        %mul3A_166 = arith.constant 16 : i32
        %mul3A_167 = arith.muli %scan3A_164, %mul3A_166 : i32
        %swap3A_168 = arith.index_cast %mul3A_167 : i32 to index
        %swap3A_169 = tpu.vector_load %arg12[%swap3A_168] {strides = array<i32>} : memref<4096xf32, #tpu.memory_space<vmem>>, vector<16xf32>,
        tpu.vector_store %arg12[%swap3A_168], %broadcast_in_dim3A_43 {strides = array<i32>} : memref<4096xf32, #tpu.memory_space<vmem>>, vector<16xf32>,
        %swap3A_170 = arith.index_cast %mul3A_167 : i32 to index
        %swap3A_171 = tpu.vector_load %arg13[%swap3A_170] {strides = array<i32>} : memref<4096xf32, #tpu.memory_space<vmem>>, vector<16xf32>,
        tpu.vector_store %arg13[%swap3A_170], %broadcast_in_dim3A_43 {strides = array<i32>} : memref<4096xf32, #tpu.memory_space<vmem>>, vector<16xf32>,
        %swap3A_172 = arith.index_cast %mul3A_167 : i32 to index
        %swap3A_173 = tpu.vector_load %arg14[%swap3A_172] {strides = array<i32>} : memref<4096xf32, #tpu.memory_space<vmem>>, vector<16xf32>,
        tpu.vector_store %arg14[%swap3A_172], %broadcast_in_dim3A_43 {strides = array<i32>} : memref<4096xf32, #tpu.memory_space<vmem>>, vector<16xf32>,
        %scan3A_174 = arith.constant 0 : i32
        scf.yield %scan3A_174 : i32
      }
      %scan3A_107 = arith.constant 256 : i32
      %scan3A_108 = arith.constant 0 : i32
      %scan3A_109 = arith.constant 0 : i32
      %scan3A_110 = arith.constant 640 : i32
      %scan3A_111 = arith.addi %scan3A_109, %scan3A_110 : i32
      %scan3A_112 = arith.constant 1 : i32
      %scan3A_113 = scf.for %scan3A_164 = %scan3A_109 to %scan3A_111 step %scan3A_112 iter_args(%scan3A_165 = %scan3A_108) -> (i32)  : i32 {
        %mul3A_166 = arith.constant 16 : i32
        %mul3A_167 = arith.muli %scan3A_164, %mul3A_166 : i32
        %get3A_168 = arith.index_cast %mul3A_167 : i32 to index
        %get3A_169 = tpu.vector_load %arg6[%get3A_168] {strides = array<i32>} : memref<10240xf32, #tpu.memory_space<vmem>>, vector<16xf32>,
        %get3A_170 = arith.index_cast %mul3A_167 : i32 to index
        %get3A_171 = tpu.vector_load %arg7[%get3A_170] {strides = array<i32>} : memref<10240xf32, #tpu.memory_space<vmem>>, vector<16xf32>,
        %get3A_172 = arith.index_cast %mul3A_167 : i32 to index
        %get3A_173 = tpu.vector_load %arg8[%get3A_172] {strides = array<i32>} : memref<10240xf32, #tpu.memory_space<vmem>>, vector<16xf32>,
        %sub3A_174 = arith.subf %get3A_169, %get3A_62 : vector<16xf32>
        %sub3A_175 = arith.subf %get3A_171, %get3A_66 : vector<16xf32>
        %sub3A_176 = arith.subf %get3A_173, %get3A_70 : vector<16xf32>
        %mul3A_177 = arith.mulf %sub3A_174, %sub3A_174 : vector<16xf32>
        %mul3A_178 = arith.mulf %sub3A_175, %sub3A_175 : vector<16xf32>
        %add3A_179 = arith.addf %mul3A_177, %mul3A_178 : vector<16xf32>
        %mul3A_180 = arith.mulf %sub3A_176, %sub3A_176 : vector<16xf32>
        %add3A_181 = arith.addf %add3A_179, %mul3A_180 : vector<16xf32>
        %lt3A_182 = arith.cmpf olt, %add3A_181, %broadcast_in_dim3A_100 : vector<16xf32>
        %all_reduce_population_count3A = tpu.all_reduce %lt3A_182 {dim = 0 : i64, kind = #tpu.reduction_kind<sum>} : vector<16xi1> -> vector<16xi32>
        %slice3A_183 = vector.extract_strided_slice %all_reduce_population_count3A {offsets = [0], sizes = [1], strides = [1]} : vector<16xi32> to vector<1xi32>
        %squeeze3A_184 = vector.extract %slice3A_183[0] : i32 from vector<1xi32>
        %gt3A = arith.constant 0 : i32
        %gt3A_185 = arith.cmpi sgt, %squeeze3A_184, %gt3A : i32
        %le3A_186 = arith.constant 4080 : i32
        %le3A_187 = arith.cmpi sle, %scan3A_165, %le3A_186 : i32
        %and3A_188 = arith.andi %gt3A_185, %le3A_187 : i1
        %convert_element_type3A = arith.extui %and3A_188 : i1 to i32
        %cond3A = arith.constant 0 : i32
        %cond3A_189 = arith.cmpi ne, %convert_element_type3A, %cond3A : i32
        %cond3A_190 = scf.if %cond3A_189 -> (i32) {
          %swap3A_191 = arith.index_cast %scan3A_165 : i32 to index
          %swap3A_192 = tpu.vector_load %arg12[%swap3A_191] masked %lt3A_182 {strides = array<i32>} : memref<4096xf32, #tpu.memory_space<vmem>>, vector<16xf32>, vector<16xi1>
          tpu.vector_store %arg12[%swap3A_191], %get3A_169 masked %lt3A_182 {strides = array<i32>} : memref<4096xf32, #tpu.memory_space<vmem>>, vector<16xf32>, vector<16xi1>
          %swap3A_193 = arith.index_cast %scan3A_165 : i32 to index
          %swap3A_194 = tpu.vector_load %arg13[%swap3A_193] masked %lt3A_182 {strides = array<i32>} : memref<4096xf32, #tpu.memory_space<vmem>>, vector<16xf32>, vector<16xi1>
          tpu.vector_store %arg13[%swap3A_193], %get3A_171 masked %lt3A_182 {strides = array<i32>} : memref<4096xf32, #tpu.memory_space<vmem>>, vector<16xf32>, vector<16xi1>
          %swap3A_195 = arith.index_cast %scan3A_165 : i32 to index
          %swap3A_196 = tpu.vector_load %arg14[%swap3A_195] masked %lt3A_182 {strides = array<i32>} : memref<4096xf32, #tpu.memory_space<vmem>>, vector<16xf32>, vector<16xi1>
          tpu.vector_store %arg14[%swap3A_195], %get3A_173 masked %lt3A_182 {strides = array<i32>} : memref<4096xf32, #tpu.memory_space<vmem>>, vector<16xf32>, vector<16xi1>
          %add3A_197 = arith.addi %scan3A_165, %squeeze3A_184 : i32
          scf.yield %add3A_197 : i32
        } else {
          %add3A_191 = arith.addi %scan3A_165, %squeeze3A_184 : i32
          scf.yield %add3A_191 : i32
        }
        scf.yield %cond3A_190 : i32
      }
      %scan3A_114 = arith.constant 640 : i32
      %le3A = arith.constant 4080 : i32
      %le3A_115 = arith.cmpi sle, %scan3A_113, %le3A : i32
      %add3A_116 = arith.constant 16 : i32
      %add3A_117 = arith.addi %scan3A_113, %add3A_116 : i32
      %sub3A_118 = arith.constant 1 : i32
      %sub3A_119 = arith.subi %add3A_117, %sub3A_118 : i32
      %jit3A_120 = arith.constant 16 : i32
      %div3A_121 = arith.divsi %sub3A_119, %jit3A_120 : i32
      %sign3A_122 = arith.constant 0 : i32
      %sign3A_123 = arith.cmpi sgt, %sub3A_119, %sign3A_122 : i32
      %sign3A_124 = arith.extui %sign3A_123 : i1 to i32
      %sign3A_125 = arith.constant 0 : i32
      %sign3A_126 = arith.cmpi slt, %sub3A_119, %sign3A_125 : i32
      %sign3A_127 = arith.extui %sign3A_126 : i1 to i32
      %sign3A_128 = arith.subi %sign3A_124, %sign3A_127 : i32
      %sign3A_129 = arith.constant 0 : i32
      %sign3A_130 = arith.cmpi sgt, %jit3A_120, %sign3A_129 : i32
      %sign3A_131 = arith.extui %sign3A_130 : i1 to i32
      %sign3A_132 = arith.constant 0 : i32
      %sign3A_133 = arith.cmpi slt, %jit3A_120, %sign3A_132 : i32
      %sign3A_134 = arith.extui %sign3A_133 : i1 to i32
      %sign3A_135 = arith.subi %sign3A_131, %sign3A_134 : i32
      %ne3A_136 = arith.cmpi ne, %sign3A_128, %sign3A_135 : i32
      %rem3A_137 = arith.remsi %sub3A_119, %jit3A_120 : i32
      %ne3A_138 = arith.constant 0 : i32
      %ne3A_139 = arith.cmpi ne, %rem3A_137, %ne3A_138 : i32
      %and3A_140 = arith.andi %ne3A_136, %ne3A_139 : i1
      %sub3A_141 = arith.constant 1 : i32
      %sub3A_142 = arith.subi %div3A_121, %sub3A_141 : i32
      %select_n3A_143 = arith.select %and3A_140, %sub3A_142, %div3A_121 : i32
      %min3A = arith.constant 256 : i32
      %min3A_144 = arith.minsi %select_n3A_143, %min3A : i32
      %broadcast_in_dim3A_145 = arith.constant 0.000000e+00 : f32
      %broadcast_in_dim3A_146 = vector.broadcast %broadcast_in_dim3A_145 : f32 to vector<16xf32>
      %scan3A_147 = arith.constant 0 : i32
      %scan3A_148 = arith.constant 16 : i32
      %scan3A_149 = arith.addi %scan3A_147, %scan3A_148 : i32
      %scan3A_150 = arith.constant 1 : i32
      %scan3A_151:3 = scf.for %scan3A_164 = %scan3A_147 to %scan3A_149 step %scan3A_150 iter_args(%scan3A_165 = %broadcast_in_dim3A_146, %scan3A_166 = %broadcast_in_dim3A_146, %scan3A_167 = %broadcast_in_dim3A_146) -> (vector<16xf32>, vector<16xf32>, vector<16xf32>)  : i32 {
        %eq3A = vector.broadcast %scan3A_164 : i32 to vector<16xi32>
        %eq3A_168 = arith.cmpi eq, %iota3A, %eq3A : vector<16xi32>
        %jit3A_169 = arith.constant 0.000000e+00 : f32
        %broadcast_in_dim3A_170 = vector.broadcast %jit3A_169 : f32 to vector<16xf32>
        %select_n3A_171 = arith.select %eq3A_168, %gather3A, %broadcast_in_dim3A_170 : vector<16xi1>, vector<16xf32>
        %reduce_sum3A = arith.constant true
        %reduce_sum3A_172 = vector.broadcast %reduce_sum3A : i1 to vector<16xi1>
        %reduce_sum3A_173 = tpu.scan <sum>, %select_n3A_171 masked %reduce_sum3A_172 : vector<16xf32>, vector<16xi1> -> vector<16xf32>
        %reduce_sum3A_174 = vector.extract %reduce_sum3A_173[15] : f32 from vector<16xf32>
        %broadcast_in_dim3A_175 = vector.broadcast %reduce_sum3A_174 : f32 to vector<16xf32>
        %jit3A_176 = arith.constant 0.000000e+00 : f32
        %broadcast_in_dim3A_177 = vector.broadcast %jit3A_176 : f32 to vector<16xf32>
        %select_n3A_178 = arith.select %eq3A_168, %gather3A_84, %broadcast_in_dim3A_177 : vector<16xi1>, vector<16xf32>
        %reduce_sum3A_179 = arith.constant true
        %reduce_sum3A_180 = vector.broadcast %reduce_sum3A_179 : i1 to vector<16xi1>
        %reduce_sum3A_181 = tpu.scan <sum>, %select_n3A_178 masked %reduce_sum3A_180 : vector<16xf32>, vector<16xi1> -> vector<16xf32>
        %reduce_sum3A_182 = vector.extract %reduce_sum3A_181[15] : f32 from vector<16xf32>
        %broadcast_in_dim3A_183 = vector.broadcast %reduce_sum3A_182 : f32 to vector<16xf32>
        %jit3A_184 = arith.constant 0.000000e+00 : f32
        %broadcast_in_dim3A_185 = vector.broadcast %jit3A_184 : f32 to vector<16xf32>
        %select_n3A_186 = arith.select %eq3A_168, %gather3A_85, %broadcast_in_dim3A_185 : vector<16xi1>, vector<16xf32>
        %reduce_sum3A_187 = arith.constant true
        %reduce_sum3A_188 = vector.broadcast %reduce_sum3A_187 : i1 to vector<16xi1>
        %reduce_sum3A_189 = tpu.scan <sum>, %select_n3A_186 masked %reduce_sum3A_188 : vector<16xf32>, vector<16xi1> -> vector<16xf32>
        %reduce_sum3A_190 = vector.extract %reduce_sum3A_189[15] : f32 from vector<16xf32>
        %broadcast_in_dim3A_191 = vector.broadcast %reduce_sum3A_190 : f32 to vector<16xf32>
        %jit3A_192 = arith.constant 0.000000e+00 : f32
        %broadcast_in_dim3A_193 = vector.broadcast %jit3A_192 : f32 to vector<16xf32>
        %select_n3A_194 = arith.select %eq3A_168, %scan3A_82#0, %broadcast_in_dim3A_193 : vector<16xi1>, vector<16xf32>
        %reduce_sum3A_195 = arith.constant true
        %reduce_sum3A_196 = vector.broadcast %reduce_sum3A_195 : i1 to vector<16xi1>
        %reduce_sum3A_197 = tpu.scan <sum>, %select_n3A_194 masked %reduce_sum3A_196 : vector<16xf32>, vector<16xi1> -> vector<16xf32>
        %reduce_sum3A_198 = vector.extract %reduce_sum3A_197[15] : f32 from vector<16xf32>
        %broadcast_in_dim3A_199 = arith.constant 0x7F800000 : f32
        %broadcast_in_dim3A_200 = vector.broadcast %broadcast_in_dim3A_199 : f32 to vector<16xf32>
        %while3A = arith.constant 0 : i32
        %while3A_201 = arith.subi %min3A_144, %while3A : i32
        %while3A_202 = arith.addi %while3A, %while3A_201 : i32
        %while3A_203 = arith.constant 1 : i32
        %while3A_204 = arith.divsi %while3A_201, %while3A_203 : i32
        %while3A_205 = arith.muli %while3A_204, %while3A_203 : i32
        %while3A_206 = arith.addi %while3A, %while3A_205 : i32
        %while3A_207 = arith.constant 1 : i32
        %while3A_208:8 = scf.for %while3A_328 = %while3A to %while3A_206 step %while3A_207 iter_args(%while3A_329 = %broadcast_in_dim3A_200, %while3A_330 = %broadcast_in_dim3A_200, %while3A_331 = %broadcast_in_dim3A_200, %while3A_332 = %broadcast_in_dim3A_200, %while3A_333 = %broadcast_in_dim3A_200, %while3A_334 = %broadcast_in_dim3A_200, %while3A_335 = %broadcast_in_dim3A_200, %while3A_336 = %broadcast_in_dim3A_200) -> (vector<16xf32>, vector<16xf32>, vector<16xf32>, vector<16xf32>, vector<16xf32>, vector<16xf32>, vector<16xf32>, vector<16xf32>)  : i32 {
          %mul3A_337 = arith.constant 16 : i32
          %mul3A_338 = arith.muli %while3A_328, %mul3A_337 : i32
          %get3A_339 = arith.index_cast %mul3A_338 : i32 to index
          %get3A_340 = tpu.vector_load %arg12[%get3A_339] {strides = array<i32>} : memref<4096xf32, #tpu.memory_space<vmem>>, vector<16xf32>,
          %get3A_341 = arith.index_cast %mul3A_338 : i32 to index
          %get3A_342 = tpu.vector_load %arg13[%get3A_341] {strides = array<i32>} : memref<4096xf32, #tpu.memory_space<vmem>>, vector<16xf32>,
          %get3A_343 = arith.index_cast %mul3A_338 : i32 to index
          %get3A_344 = tpu.vector_load %arg14[%get3A_343] {strides = array<i32>} : memref<4096xf32, #tpu.memory_space<vmem>>, vector<16xf32>,
          %sub3A_345 = arith.subf %get3A_340, %broadcast_in_dim3A_175 : vector<16xf32>
          %sub3A_346 = arith.subf %get3A_342, %broadcast_in_dim3A_183 : vector<16xf32>
          %sub3A_347 = arith.subf %get3A_344, %broadcast_in_dim3A_191 : vector<16xf32>
          %mul3A_348 = arith.mulf %sub3A_345, %sub3A_345 : vector<16xf32>
          %mul3A_349 = arith.mulf %sub3A_346, %sub3A_346 : vector<16xf32>
          %add3A_350 = arith.addf %mul3A_348, %mul3A_349 : vector<16xf32>
          %mul3A_351 = arith.mulf %sub3A_347, %sub3A_347 : vector<16xf32>
          %add3A_352 = arith.addf %add3A_350, %mul3A_351 : vector<16xf32>
          %min3A_353 = arith.minimumf %add3A_352, %while3A_329 : vector<16xf32>
          %max3A = arith.maximumf %add3A_352, %while3A_329 : vector<16xf32>
          %min3A_354 = arith.minimumf %max3A, %while3A_330 : vector<16xf32>
          %max3A_355 = arith.maximumf %max3A, %while3A_330 : vector<16xf32>
          %min3A_356 = arith.minimumf %max3A_355, %while3A_331 : vector<16xf32>
          %max3A_357 = arith.maximumf %max3A_355, %while3A_331 : vector<16xf32>
          %min3A_358 = arith.minimumf %max3A_357, %while3A_332 : vector<16xf32>
          %max3A_359 = arith.maximumf %max3A_357, %while3A_332 : vector<16xf32>
          %min3A_360 = arith.minimumf %max3A_359, %while3A_333 : vector<16xf32>
          %max3A_361 = arith.maximumf %max3A_359, %while3A_333 : vector<16xf32>
          %min3A_362 = arith.minimumf %max3A_361, %while3A_334 : vector<16xf32>
          %max3A_363 = arith.maximumf %max3A_361, %while3A_334 : vector<16xf32>
          %min3A_364 = arith.minimumf %max3A_363, %while3A_335 : vector<16xf32>
          %max3A_365 = arith.maximumf %max3A_363, %while3A_335 : vector<16xf32>
          %min3A_366 = arith.minimumf %max3A_365, %while3A_336 : vector<16xf32>
          %max3A_367 = arith.maximumf %max3A_365, %while3A_336 : vector<16xf32>
          scf.yield %min3A_353, %min3A_354, %min3A_356, %min3A_358, %min3A_360, %min3A_362, %min3A_364, %min3A_366 : vector<16xf32>, vector<16xf32>, vector<16xf32>, vector<16xf32>, vector<16xf32>, vector<16xf32>, vector<16xf32>, vector<16xf32>
        }
        %while3A_209 = arith.constant 1 : i32
        %while3A_210:8 = scf.for %while3A_328 = %while3A_206 to %while3A_202 step %while3A_209 iter_args(%while3A_329 = %while3A_208#0, %while3A_330 = %while3A_208#1, %while3A_331 = %while3A_208#2, %while3A_332 = %while3A_208#3, %while3A_333 = %while3A_208#4, %while3A_334 = %while3A_208#5, %while3A_335 = %while3A_208#6, %while3A_336 = %while3A_208#7) -> (vector<16xf32>, vector<16xf32>, vector<16xf32>, vector<16xf32>, vector<16xf32>, vector<16xf32>, vector<16xf32>, vector<16xf32>)  : i32 {
          %mul3A_337 = arith.constant 16 : i32
          %mul3A_338 = arith.muli %while3A_328, %mul3A_337 : i32
          %get3A_339 = arith.index_cast %mul3A_338 : i32 to index
          %get3A_340 = tpu.vector_load %arg12[%get3A_339] {strides = array<i32>} : memref<4096xf32, #tpu.memory_space<vmem>>, vector<16xf32>,
          %get3A_341 = arith.index_cast %mul3A_338 : i32 to index
          %get3A_342 = tpu.vector_load %arg13[%get3A_341] {strides = array<i32>} : memref<4096xf32, #tpu.memory_space<vmem>>, vector<16xf32>,
          %get3A_343 = arith.index_cast %mul3A_338 : i32 to index
          %get3A_344 = tpu.vector_load %arg14[%get3A_343] {strides = array<i32>} : memref<4096xf32, #tpu.memory_space<vmem>>, vector<16xf32>,
          %sub3A_345 = arith.subf %get3A_340, %broadcast_in_dim3A_175 : vector<16xf32>
          %sub3A_346 = arith.subf %get3A_342, %broadcast_in_dim3A_183 : vector<16xf32>
          %sub3A_347 = arith.subf %get3A_344, %broadcast_in_dim3A_191 : vector<16xf32>
          %mul3A_348 = arith.mulf %sub3A_345, %sub3A_345 : vector<16xf32>
          %mul3A_349 = arith.mulf %sub3A_346, %sub3A_346 : vector<16xf32>
          %add3A_350 = arith.addf %mul3A_348, %mul3A_349 : vector<16xf32>
          %mul3A_351 = arith.mulf %sub3A_347, %sub3A_347 : vector<16xf32>
          %add3A_352 = arith.addf %add3A_350, %mul3A_351 : vector<16xf32>
          %min3A_353 = arith.minimumf %add3A_352, %while3A_329 : vector<16xf32>
          %max3A = arith.maximumf %add3A_352, %while3A_329 : vector<16xf32>
          %min3A_354 = arith.minimumf %max3A, %while3A_330 : vector<16xf32>
          %max3A_355 = arith.maximumf %max3A, %while3A_330 : vector<16xf32>
          %min3A_356 = arith.minimumf %max3A_355, %while3A_331 : vector<16xf32>
          %max3A_357 = arith.maximumf %max3A_355, %while3A_331 : vector<16xf32>
          %min3A_358 = arith.minimumf %max3A_357, %while3A_332 : vector<16xf32>
          %max3A_359 = arith.maximumf %max3A_357, %while3A_332 : vector<16xf32>
          %min3A_360 = arith.minimumf %max3A_359, %while3A_333 : vector<16xf32>
          %max3A_361 = arith.maximumf %max3A_359, %while3A_333 : vector<16xf32>
          %min3A_362 = arith.minimumf %max3A_361, %while3A_334 : vector<16xf32>
          %max3A_363 = arith.maximumf %max3A_361, %while3A_334 : vector<16xf32>
          %min3A_364 = arith.minimumf %max3A_363, %while3A_335 : vector<16xf32>
          %max3A_365 = arith.maximumf %max3A_363, %while3A_335 : vector<16xf32>
          %min3A_366 = arith.minimumf %max3A_365, %while3A_336 : vector<16xf32>
          %max3A_367 = arith.maximumf %max3A_365, %while3A_336 : vector<16xf32>
          scf.yield %min3A_353, %min3A_354, %min3A_356, %min3A_358, %min3A_360, %min3A_362, %min3A_364, %min3A_366 : vector<16xf32>, vector<16xf32>, vector<16xf32>, vector<16xf32>, vector<16xf32>, vector<16xf32>, vector<16xf32>, vector<16xf32>
        }
        %sort3A = arith.constant dense<true> : vector<16xi1>
        %sort3A_211, %sort3A_212, %sort3A_213 = tpu.sort %while3A_210#0, %while3A_210#0 masked %sort3A : (vector<16xf32>, vector<16xf32>, vector<16xi1>) -> (vector<16xi1>, vector<16xf32>, vector<16xf32>)
        %sort3A_214 = arith.constant dense<true> : vector<16xi1>
        %sort3A_215, %sort3A_216, %sort3A_217 = tpu.sort %while3A_210#1, %while3A_210#1 masked %sort3A_214 : (vector<16xf32>, vector<16xf32>, vector<16xi1>) -> (vector<16xi1>, vector<16xf32>, vector<16xf32>)
        %rev3A = arith.constant 15 : i32
        %rev3A_218 = vector.broadcast %rev3A : i32 to vector<16xi32>
        %rev3A_219 = tpu.iota {dimensions = array<i32: 0>} : vector<16xi32>
        %rev3A_220 = arith.subi %rev3A_218, %rev3A_219 : vector<16xi32>
        %rev3A_221 = tpu.dynamic_gather %sort3A_216[%rev3A_220] in [0] : vector<16xf32>, vector<16xi32> -> vector<16xf32>
        %min3A_222 = arith.minimumf %sort3A_212, %rev3A_221 : vector<16xf32>
        %sort3A_223 = arith.constant dense<true> : vector<16xi1>
        %sort3A_224, %sort3A_225, %sort3A_226 = tpu.sort %min3A_222, %min3A_222 masked %sort3A_223 : (vector<16xf32>, vector<16xf32>, vector<16xi1>) -> (vector<16xi1>, vector<16xf32>, vector<16xf32>)
        %sort3A_227 = arith.constant dense<true> : vector<16xi1>
        %sort3A_228, %sort3A_229, %sort3A_230 = tpu.sort %while3A_210#2, %while3A_210#2 masked %sort3A_227 : (vector<16xf32>, vector<16xf32>, vector<16xi1>) -> (vector<16xi1>, vector<16xf32>, vector<16xf32>)
        %rev3A_231 = arith.constant 15 : i32
        %rev3A_232 = vector.broadcast %rev3A_231 : i32 to vector<16xi32>
        %rev3A_233 = tpu.iota {dimensions = array<i32: 0>} : vector<16xi32>
        %rev3A_234 = arith.subi %rev3A_232, %rev3A_233 : vector<16xi32>
        %rev3A_235 = tpu.dynamic_gather %sort3A_229[%rev3A_234] in [0] : vector<16xf32>, vector<16xi32> -> vector<16xf32>
        %min3A_236 = arith.minimumf %sort3A_225, %rev3A_235 : vector<16xf32>
        %sort3A_237 = arith.constant dense<true> : vector<16xi1>
        %sort3A_238, %sort3A_239, %sort3A_240 = tpu.sort %min3A_236, %min3A_236 masked %sort3A_237 : (vector<16xf32>, vector<16xf32>, vector<16xi1>) -> (vector<16xi1>, vector<16xf32>, vector<16xf32>)
        %sort3A_241 = arith.constant dense<true> : vector<16xi1>
        %sort3A_242, %sort3A_243, %sort3A_244 = tpu.sort %while3A_210#3, %while3A_210#3 masked %sort3A_241 : (vector<16xf32>, vector<16xf32>, vector<16xi1>) -> (vector<16xi1>, vector<16xf32>, vector<16xf32>)
        %rev3A_245 = arith.constant 15 : i32
        %rev3A_246 = vector.broadcast %rev3A_245 : i32 to vector<16xi32>
        %rev3A_247 = tpu.iota {dimensions = array<i32: 0>} : vector<16xi32>
        %rev3A_248 = arith.subi %rev3A_246, %rev3A_247 : vector<16xi32>
        %rev3A_249 = tpu.dynamic_gather %sort3A_243[%rev3A_248] in [0] : vector<16xf32>, vector<16xi32> -> vector<16xf32>
        %min3A_250 = arith.minimumf %sort3A_239, %rev3A_249 : vector<16xf32>
        %sort3A_251 = arith.constant dense<true> : vector<16xi1>
        %sort3A_252, %sort3A_253, %sort3A_254 = tpu.sort %min3A_250, %min3A_250 masked %sort3A_251 : (vector<16xf32>, vector<16xf32>, vector<16xi1>) -> (vector<16xi1>, vector<16xf32>, vector<16xf32>)
        %sort3A_255 = arith.constant dense<true> : vector<16xi1>
        %sort3A_256, %sort3A_257, %sort3A_258 = tpu.sort %while3A_210#4, %while3A_210#4 masked %sort3A_255 : (vector<16xf32>, vector<16xf32>, vector<16xi1>) -> (vector<16xi1>, vector<16xf32>, vector<16xf32>)
        %rev3A_259 = arith.constant 15 : i32
        %rev3A_260 = vector.broadcast %rev3A_259 : i32 to vector<16xi32>
        %rev3A_261 = tpu.iota {dimensions = array<i32: 0>} : vector<16xi32>
        %rev3A_262 = arith.subi %rev3A_260, %rev3A_261 : vector<16xi32>
        %rev3A_263 = tpu.dynamic_gather %sort3A_257[%rev3A_262] in [0] : vector<16xf32>, vector<16xi32> -> vector<16xf32>
        %min3A_264 = arith.minimumf %sort3A_253, %rev3A_263 : vector<16xf32>
        %sort3A_265 = arith.constant dense<true> : vector<16xi1>
        %sort3A_266, %sort3A_267, %sort3A_268 = tpu.sort %min3A_264, %min3A_264 masked %sort3A_265 : (vector<16xf32>, vector<16xf32>, vector<16xi1>) -> (vector<16xi1>, vector<16xf32>, vector<16xf32>)
        %sort3A_269 = arith.constant dense<true> : vector<16xi1>
        %sort3A_270, %sort3A_271, %sort3A_272 = tpu.sort %while3A_210#5, %while3A_210#5 masked %sort3A_269 : (vector<16xf32>, vector<16xf32>, vector<16xi1>) -> (vector<16xi1>, vector<16xf32>, vector<16xf32>)
        %rev3A_273 = arith.constant 15 : i32
        %rev3A_274 = vector.broadcast %rev3A_273 : i32 to vector<16xi32>
        %rev3A_275 = tpu.iota {dimensions = array<i32: 0>} : vector<16xi32>
        %rev3A_276 = arith.subi %rev3A_274, %rev3A_275 : vector<16xi32>
        %rev3A_277 = tpu.dynamic_gather %sort3A_271[%rev3A_276] in [0] : vector<16xf32>, vector<16xi32> -> vector<16xf32>
        %min3A_278 = arith.minimumf %sort3A_267, %rev3A_277 : vector<16xf32>
        %sort3A_279 = arith.constant dense<true> : vector<16xi1>
        %sort3A_280, %sort3A_281, %sort3A_282 = tpu.sort %min3A_278, %min3A_278 masked %sort3A_279 : (vector<16xf32>, vector<16xf32>, vector<16xi1>) -> (vector<16xi1>, vector<16xf32>, vector<16xf32>)
        %sort3A_283 = arith.constant dense<true> : vector<16xi1>
        %sort3A_284, %sort3A_285, %sort3A_286 = tpu.sort %while3A_210#6, %while3A_210#6 masked %sort3A_283 : (vector<16xf32>, vector<16xf32>, vector<16xi1>) -> (vector<16xi1>, vector<16xf32>, vector<16xf32>)
        %rev3A_287 = arith.constant 15 : i32
        %rev3A_288 = vector.broadcast %rev3A_287 : i32 to vector<16xi32>
        %rev3A_289 = tpu.iota {dimensions = array<i32: 0>} : vector<16xi32>
        %rev3A_290 = arith.subi %rev3A_288, %rev3A_289 : vector<16xi32>
        %rev3A_291 = tpu.dynamic_gather %sort3A_285[%rev3A_290] in [0] : vector<16xf32>, vector<16xi32> -> vector<16xf32>
        %min3A_292 = arith.minimumf %sort3A_281, %rev3A_291 : vector<16xf32>
        %sort3A_293 = arith.constant dense<true> : vector<16xi1>
        %sort3A_294, %sort3A_295, %sort3A_296 = tpu.sort %min3A_292, %min3A_292 masked %sort3A_293 : (vector<16xf32>, vector<16xf32>, vector<16xi1>) -> (vector<16xi1>, vector<16xf32>, vector<16xf32>)
        %sort3A_297 = arith.constant dense<true> : vector<16xi1>
        %sort3A_298, %sort3A_299, %sort3A_300 = tpu.sort %while3A_210#7, %while3A_210#7 masked %sort3A_297 : (vector<16xf32>, vector<16xf32>, vector<16xi1>) -> (vector<16xi1>, vector<16xf32>, vector<16xf32>)
        %rev3A_301 = arith.constant 15 : i32
        %rev3A_302 = vector.broadcast %rev3A_301 : i32 to vector<16xi32>
        %rev3A_303 = tpu.iota {dimensions = array<i32: 0>} : vector<16xi32>
        %rev3A_304 = arith.subi %rev3A_302, %rev3A_303 : vector<16xi32>
        %rev3A_305 = tpu.dynamic_gather %sort3A_299[%rev3A_304] in [0] : vector<16xf32>, vector<16xi32> -> vector<16xf32>
        %min3A_306 = arith.minimumf %sort3A_295, %rev3A_305 : vector<16xf32>
        %sort3A_307 = arith.constant dense<true> : vector<16xi1>
        %sort3A_308, %sort3A_309, %sort3A_310 = tpu.sort %min3A_306, %min3A_306 masked %sort3A_307 : (vector<16xf32>, vector<16xf32>, vector<16xi1>) -> (vector<16xi1>, vector<16xf32>, vector<16xf32>)
        %slice3A_311 = vector.extract_strided_slice %sort3A_309 {offsets = [7], sizes = [1], strides = [1]} : vector<16xf32> to vector<1xf32>
        %squeeze3A_312 = vector.extract %slice3A_311[0] : f32 from vector<1xf32>
        %add3A_313 = arith.addf %reduce_sum3A_198, %squeeze3A_312 : f32
        %mul3A_314 = arith.constant 2.000000e+00 : f32
        %mul3A_315 = arith.mulf %mul3A_314, %add3A_313 : f32
        %le3A_316 = arith.cmpf ole, %mul3A_315, %mul3A_99 : f32
        %and3A_317 = arith.andi %le3A_115, %le3A_316 : i1
        %broadcast_in_dim3A_318 = vector.broadcast %squeeze3A_312 : f32 to vector<16xf32>
        %convert_element_type3A = arith.extui %and3A_317 : i1 to i32
        %cond3A = arith.constant 0 : i32
        %cond3A_319 = arith.constant 0 : i32
        %cond3A_320 = arith.cmpi ne, %convert_element_type3A, %cond3A_319 : i32
        %cond3A_321:3 = scf.if %cond3A_320 -> (vector<16xf32>, vector<16xf32>, vector<16xf32>) {
          %broadcast_in_dim3A_328 = arith.constant 0.000000e+00 : f32
          %broadcast_in_dim3A_329 = vector.broadcast %broadcast_in_dim3A_328 : f32 to vector<16xf32>
          %while3A_330 = arith.constant 0 : i32
          %while3A_331 = arith.subi %min3A_144, %while3A_330 : i32
          %while3A_332 = arith.addi %while3A_330, %while3A_331 : i32
          %while3A_333 = arith.constant 1 : i32
          %while3A_334 = arith.divsi %while3A_331, %while3A_333 : i32
          %while3A_335 = arith.muli %while3A_334, %while3A_333 : i32
          %while3A_336 = arith.addi %while3A_330, %while3A_335 : i32
          %while3A_337 = arith.constant 1 : i32
          %while3A_338:4 = scf.for %while3A_364 = %while3A_330 to %while3A_336 step %while3A_337 iter_args(%while3A_365 = %broadcast_in_dim3A_329, %while3A_366 = %broadcast_in_dim3A_329, %while3A_367 = %broadcast_in_dim3A_329, %while3A_368 = %broadcast_in_dim3A_329) -> (vector<16xf32>, vector<16xf32>, vector<16xf32>, vector<16xf32>)  : i32 {
            %mul3A_369 = arith.constant 16 : i32
            %mul3A_370 = arith.muli %while3A_364, %mul3A_369 : i32
            %get3A_371 = arith.index_cast %mul3A_370 : i32 to index
            %get3A_372 = tpu.vector_load %arg12[%get3A_371] {strides = array<i32>} : memref<4096xf32, #tpu.memory_space<vmem>>, vector<16xf32>,
            %get3A_373 = arith.index_cast %mul3A_370 : i32 to index
            %get3A_374 = tpu.vector_load %arg13[%get3A_373] {strides = array<i32>} : memref<4096xf32, #tpu.memory_space<vmem>>, vector<16xf32>,
            %get3A_375 = arith.index_cast %mul3A_370 : i32 to index
            %get3A_376 = tpu.vector_load %arg14[%get3A_375] {strides = array<i32>} : memref<4096xf32, #tpu.memory_space<vmem>>, vector<16xf32>,
            %sub3A_377 = arith.subf %get3A_372, %broadcast_in_dim3A_175 : vector<16xf32>
            %sub3A_378 = arith.subf %get3A_374, %broadcast_in_dim3A_183 : vector<16xf32>
            %sub3A_379 = arith.subf %get3A_376, %broadcast_in_dim3A_191 : vector<16xf32>
            %mul3A_380 = arith.mulf %sub3A_377, %sub3A_377 : vector<16xf32>
            %mul3A_381 = arith.mulf %sub3A_378, %sub3A_378 : vector<16xf32>
            %add3A_382 = arith.addf %mul3A_380, %mul3A_381 : vector<16xf32>
            %mul3A_383 = arith.mulf %sub3A_379, %sub3A_379 : vector<16xf32>
            %add3A_384 = arith.addf %add3A_382, %mul3A_383 : vector<16xf32>
            %le3A_385 = arith.cmpf ole, %add3A_384, %broadcast_in_dim3A_318 : vector<16xf32>
            %jit3A_386 = arith.constant 0.000000e+00 : f32
            %broadcast_in_dim3A_387 = vector.broadcast %jit3A_386 : f32 to vector<16xf32>
            %select_n3A_388 = arith.select %le3A_385, %get3A_372, %broadcast_in_dim3A_387 : vector<16xi1>, vector<16xf32>
            %add3A_389 = arith.addf %while3A_365, %select_n3A_388 : vector<16xf32>
            %jit3A_390 = arith.constant 0.000000e+00 : f32
            %broadcast_in_dim3A_391 = vector.broadcast %jit3A_390 : f32 to vector<16xf32>
            %select_n3A_392 = arith.select %le3A_385, %get3A_374, %broadcast_in_dim3A_391 : vector<16xi1>, vector<16xf32>
            %add3A_393 = arith.addf %while3A_366, %select_n3A_392 : vector<16xf32>
            %jit3A_394 = arith.constant 0.000000e+00 : f32
            %broadcast_in_dim3A_395 = vector.broadcast %jit3A_394 : f32 to vector<16xf32>
            %select_n3A_396 = arith.select %le3A_385, %get3A_376, %broadcast_in_dim3A_395 : vector<16xi1>, vector<16xf32>
            %add3A_397 = arith.addf %while3A_367, %select_n3A_396 : vector<16xf32>
            %jit3A_398 = arith.constant 1.000000e+00 : f32
            %jit3A_399 = arith.constant 0.000000e+00 : f32
            %broadcast_in_dim3A_400 = vector.broadcast %jit3A_398 : f32 to vector<16xf32>
            %broadcast_in_dim3A_401 = vector.broadcast %jit3A_399 : f32 to vector<16xf32>
            %select_n3A_402 = arith.select %le3A_385, %broadcast_in_dim3A_400, %broadcast_in_dim3A_401 : vector<16xi1>, vector<16xf32>
            %add3A_403 = arith.addf %while3A_368, %select_n3A_402 : vector<16xf32>
            scf.yield %add3A_389, %add3A_393, %add3A_397, %add3A_403 : vector<16xf32>, vector<16xf32>, vector<16xf32>, vector<16xf32>
          }
          %while3A_339 = arith.constant 1 : i32
          %while3A_340:4 = scf.for %while3A_364 = %while3A_336 to %while3A_332 step %while3A_339 iter_args(%while3A_365 = %while3A_338#0, %while3A_366 = %while3A_338#1, %while3A_367 = %while3A_338#2, %while3A_368 = %while3A_338#3) -> (vector<16xf32>, vector<16xf32>, vector<16xf32>, vector<16xf32>)  : i32 {
            %mul3A_369 = arith.constant 16 : i32
            %mul3A_370 = arith.muli %while3A_364, %mul3A_369 : i32
            %get3A_371 = arith.index_cast %mul3A_370 : i32 to index
            %get3A_372 = tpu.vector_load %arg12[%get3A_371] {strides = array<i32>} : memref<4096xf32, #tpu.memory_space<vmem>>, vector<16xf32>,
            %get3A_373 = arith.index_cast %mul3A_370 : i32 to index
            %get3A_374 = tpu.vector_load %arg13[%get3A_373] {strides = array<i32>} : memref<4096xf32, #tpu.memory_space<vmem>>, vector<16xf32>,
            %get3A_375 = arith.index_cast %mul3A_370 : i32 to index
            %get3A_376 = tpu.vector_load %arg14[%get3A_375] {strides = array<i32>} : memref<4096xf32, #tpu.memory_space<vmem>>, vector<16xf32>,
            %sub3A_377 = arith.subf %get3A_372, %broadcast_in_dim3A_175 : vector<16xf32>
            %sub3A_378 = arith.subf %get3A_374, %broadcast_in_dim3A_183 : vector<16xf32>
            %sub3A_379 = arith.subf %get3A_376, %broadcast_in_dim3A_191 : vector<16xf32>
            %mul3A_380 = arith.mulf %sub3A_377, %sub3A_377 : vector<16xf32>
            %mul3A_381 = arith.mulf %sub3A_378, %sub3A_378 : vector<16xf32>
            %add3A_382 = arith.addf %mul3A_380, %mul3A_381 : vector<16xf32>
            %mul3A_383 = arith.mulf %sub3A_379, %sub3A_379 : vector<16xf32>
            %add3A_384 = arith.addf %add3A_382, %mul3A_383 : vector<16xf32>
            %le3A_385 = arith.cmpf ole, %add3A_384, %broadcast_in_dim3A_318 : vector<16xf32>
            %jit3A_386 = arith.constant 0.000000e+00 : f32
            %broadcast_in_dim3A_387 = vector.broadcast %jit3A_386 : f32 to vector<16xf32>
            %select_n3A_388 = arith.select %le3A_385, %get3A_372, %broadcast_in_dim3A_387 : vector<16xi1>, vector<16xf32>
            %add3A_389 = arith.addf %while3A_365, %select_n3A_388 : vector<16xf32>
            %jit3A_390 = arith.constant 0.000000e+00 : f32
            %broadcast_in_dim3A_391 = vector.broadcast %jit3A_390 : f32 to vector<16xf32>
            %select_n3A_392 = arith.select %le3A_385, %get3A_374, %broadcast_in_dim3A_391 : vector<16xi1>, vector<16xf32>
            %add3A_393 = arith.addf %while3A_366, %select_n3A_392 : vector<16xf32>
            %jit3A_394 = arith.constant 0.000000e+00 : f32
            %broadcast_in_dim3A_395 = vector.broadcast %jit3A_394 : f32 to vector<16xf32>
            %select_n3A_396 = arith.select %le3A_385, %get3A_376, %broadcast_in_dim3A_395 : vector<16xi1>, vector<16xf32>
            %add3A_397 = arith.addf %while3A_367, %select_n3A_396 : vector<16xf32>
            %jit3A_398 = arith.constant 1.000000e+00 : f32
            %jit3A_399 = arith.constant 0.000000e+00 : f32
            %broadcast_in_dim3A_400 = vector.broadcast %jit3A_398 : f32 to vector<16xf32>
            %broadcast_in_dim3A_401 = vector.broadcast %jit3A_399 : f32 to vector<16xf32>
            %select_n3A_402 = arith.select %le3A_385, %broadcast_in_dim3A_400, %broadcast_in_dim3A_401 : vector<16xi1>, vector<16xf32>
            %add3A_403 = arith.addf %while3A_368, %select_n3A_402 : vector<16xf32>
            scf.yield %add3A_389, %add3A_393, %add3A_397, %add3A_403 : vector<16xf32>, vector<16xf32>, vector<16xf32>, vector<16xf32>
          }
          %reduce_sum3A_341 = arith.constant true
          %reduce_sum3A_342 = vector.broadcast %reduce_sum3A_341 : i1 to vector<16xi1>
          %reduce_sum3A_343 = tpu.scan <sum>, %while3A_340#3 masked %reduce_sum3A_342 : vector<16xf32>, vector<16xi1> -> vector<16xf32>
          %reduce_sum3A_344 = vector.extract %reduce_sum3A_343[15] : f32 from vector<16xf32>
          %broadcast_in_dim3A_345 = vector.broadcast %reduce_sum3A_344 : f32 to vector<16xf32>
          %reduce_sum3A_346 = arith.constant true
          %reduce_sum3A_347 = vector.broadcast %reduce_sum3A_346 : i1 to vector<16xi1>
          %reduce_sum3A_348 = tpu.scan <sum>, %while3A_340#0 masked %reduce_sum3A_347 : vector<16xf32>, vector<16xi1> -> vector<16xf32>
          %reduce_sum3A_349 = vector.extract %reduce_sum3A_348[15] : f32 from vector<16xf32>
          %broadcast_in_dim3A_350 = vector.broadcast %reduce_sum3A_349 : f32 to vector<16xf32>
          %div3A_351 = arith.divf %broadcast_in_dim3A_350, %broadcast_in_dim3A_345 : vector<16xf32>
          %reduce_sum3A_352 = arith.constant true
          %reduce_sum3A_353 = vector.broadcast %reduce_sum3A_352 : i1 to vector<16xi1>
          %reduce_sum3A_354 = tpu.scan <sum>, %while3A_340#1 masked %reduce_sum3A_353 : vector<16xf32>, vector<16xi1> -> vector<16xf32>
          %reduce_sum3A_355 = vector.extract %reduce_sum3A_354[15] : f32 from vector<16xf32>
          %broadcast_in_dim3A_356 = vector.broadcast %reduce_sum3A_355 : f32 to vector<16xf32>
          %div3A_357 = arith.divf %broadcast_in_dim3A_356, %broadcast_in_dim3A_345 : vector<16xf32>
          %reduce_sum3A_358 = arith.constant true
          %reduce_sum3A_359 = vector.broadcast %reduce_sum3A_358 : i1 to vector<16xi1>
          %reduce_sum3A_360 = tpu.scan <sum>, %while3A_340#2 masked %reduce_sum3A_359 : vector<16xf32>, vector<16xi1> -> vector<16xf32>
          %reduce_sum3A_361 = vector.extract %reduce_sum3A_360[15] : f32 from vector<16xf32>
          %broadcast_in_dim3A_362 = vector.broadcast %reduce_sum3A_361 : f32 to vector<16xf32>
          %div3A_363 = arith.divf %broadcast_in_dim3A_362, %broadcast_in_dim3A_345 : vector<16xf32>
          scf.yield %div3A_351, %div3A_357, %div3A_363 : vector<16xf32>, vector<16xf32>, vector<16xf32>
        } else {
          %iota3A_328 = tpu.iota {dimensions = array<i32: 0>} : vector<16xi32>
          %broadcast_in_dim3A_329 = arith.constant 0x7F800000 : f32
          %broadcast_in_dim3A_330 = vector.broadcast %broadcast_in_dim3A_329 : f32 to vector<16xf32>
          %broadcast_in_dim3A_331 = arith.constant 0 : i32
          %broadcast_in_dim3A_332 = vector.broadcast %broadcast_in_dim3A_331 : i32 to vector<16xi32>
          %broadcast_in_dim3A_333 = arith.constant 0x7F800000 : f32
          %broadcast_in_dim3A_334 = vector.broadcast %broadcast_in_dim3A_333 : f32 to vector<16xf32>
          %scan3A_335 = arith.constant 0 : i32
          %scan3A_336 = arith.constant 160 : i32
          %scan3A_337 = arith.addi %scan3A_335, %scan3A_336 : i32
          %scan3A_338 = arith.constant 1 : i32
          %scan3A_339:3 = scf.for %scan3A_374 = %scan3A_335 to %scan3A_337 step %scan3A_338 iter_args(%scan3A_375 = %broadcast_in_dim3A_330, %scan3A_376 = %broadcast_in_dim3A_332, %scan3A_377 = %broadcast_in_dim3A_334) -> (vector<16xf32>, vector<16xi32>, vector<16xf32>)  : i32 {
            %mul3A_378 = arith.constant 64 : i32
            %mul3A_379 = arith.muli %scan3A_374, %mul3A_378 : i32
            %add3A_380 = arith.constant 0 : i32
            %add3A_381 = arith.addi %mul3A_379, %add3A_380 : i32
            %get3A_382 = arith.index_cast %add3A_381 : i32 to index
            %get3A_383 = tpu.vector_load %arg6[%get3A_382] {strides = array<i32>} : memref<10240xf32, #tpu.memory_space<vmem>>, vector<16xf32>,
            %get3A_384 = arith.index_cast %add3A_381 : i32 to index
            %get3A_385 = tpu.vector_load %arg7[%get3A_384] {strides = array<i32>} : memref<10240xf32, #tpu.memory_space<vmem>>, vector<16xf32>,
            %get3A_386 = arith.index_cast %add3A_381 : i32 to index
            %get3A_387 = tpu.vector_load %arg8[%get3A_386] {strides = array<i32>} : memref<10240xf32, #tpu.memory_space<vmem>>, vector<16xf32>,
            %sub3A_388 = arith.subf %get3A_383, %broadcast_in_dim3A_175 : vector<16xf32>
            %sub3A_389 = arith.subf %get3A_385, %broadcast_in_dim3A_183 : vector<16xf32>
            %sub3A_390 = arith.subf %get3A_387, %broadcast_in_dim3A_191 : vector<16xf32>
            %mul3A_391 = arith.mulf %sub3A_388, %sub3A_388 : vector<16xf32>
            %mul3A_392 = arith.mulf %sub3A_389, %sub3A_389 : vector<16xf32>
            %add3A_393 = arith.addf %mul3A_391, %mul3A_392 : vector<16xf32>
            %mul3A_394 = arith.mulf %sub3A_390, %sub3A_390 : vector<16xf32>
            %add3A_395 = arith.addf %add3A_393, %mul3A_394 : vector<16xf32>
            %lt3A_396 = arith.cmpf olt, %add3A_395, %scan3A_377 : vector<16xf32>
            %add3A_397 = arith.constant 16 : i32
            %add3A_398 = arith.addi %mul3A_379, %add3A_397 : i32
            %get3A_399 = arith.index_cast %add3A_398 : i32 to index
            %get3A_400 = tpu.vector_load %arg6[%get3A_399] {strides = array<i32>} : memref<10240xf32, #tpu.memory_space<vmem>>, vector<16xf32>,
            %get3A_401 = arith.index_cast %add3A_398 : i32 to index
            %get3A_402 = tpu.vector_load %arg7[%get3A_401] {strides = array<i32>} : memref<10240xf32, #tpu.memory_space<vmem>>, vector<16xf32>,
            %get3A_403 = arith.index_cast %add3A_398 : i32 to index
            %get3A_404 = tpu.vector_load %arg8[%get3A_403] {strides = array<i32>} : memref<10240xf32, #tpu.memory_space<vmem>>, vector<16xf32>,
            %sub3A_405 = arith.subf %get3A_400, %broadcast_in_dim3A_175 : vector<16xf32>
            %sub3A_406 = arith.subf %get3A_402, %broadcast_in_dim3A_183 : vector<16xf32>
            %sub3A_407 = arith.subf %get3A_404, %broadcast_in_dim3A_191 : vector<16xf32>
            %mul3A_408 = arith.mulf %sub3A_405, %sub3A_405 : vector<16xf32>
            %mul3A_409 = arith.mulf %sub3A_406, %sub3A_406 : vector<16xf32>
            %add3A_410 = arith.addf %mul3A_408, %mul3A_409 : vector<16xf32>
            %mul3A_411 = arith.mulf %sub3A_407, %sub3A_407 : vector<16xf32>
            %add3A_412 = arith.addf %add3A_410, %mul3A_411 : vector<16xf32>
            %lt3A_413 = arith.cmpf olt, %add3A_412, %scan3A_377 : vector<16xf32>
            %or3A = arith.ori %lt3A_396, %lt3A_413 : vector<16xi1>
            %add3A_414 = arith.constant 32 : i32
            %add3A_415 = arith.addi %mul3A_379, %add3A_414 : i32
            %get3A_416 = arith.index_cast %add3A_415 : i32 to index
            %get3A_417 = tpu.vector_load %arg6[%get3A_416] {strides = array<i32>} : memref<10240xf32, #tpu.memory_space<vmem>>, vector<16xf32>,
            %get3A_418 = arith.index_cast %add3A_415 : i32 to index
            %get3A_419 = tpu.vector_load %arg7[%get3A_418] {strides = array<i32>} : memref<10240xf32, #tpu.memory_space<vmem>>, vector<16xf32>,
            %get3A_420 = arith.index_cast %add3A_415 : i32 to index
            %get3A_421 = tpu.vector_load %arg8[%get3A_420] {strides = array<i32>} : memref<10240xf32, #tpu.memory_space<vmem>>, vector<16xf32>,
            %sub3A_422 = arith.subf %get3A_417, %broadcast_in_dim3A_175 : vector<16xf32>
            %sub3A_423 = arith.subf %get3A_419, %broadcast_in_dim3A_183 : vector<16xf32>
            %sub3A_424 = arith.subf %get3A_421, %broadcast_in_dim3A_191 : vector<16xf32>
            %mul3A_425 = arith.mulf %sub3A_422, %sub3A_422 : vector<16xf32>
            %mul3A_426 = arith.mulf %sub3A_423, %sub3A_423 : vector<16xf32>
            %add3A_427 = arith.addf %mul3A_425, %mul3A_426 : vector<16xf32>
            %mul3A_428 = arith.mulf %sub3A_424, %sub3A_424 : vector<16xf32>
            %add3A_429 = arith.addf %add3A_427, %mul3A_428 : vector<16xf32>
            %lt3A_430 = arith.cmpf olt, %add3A_429, %scan3A_377 : vector<16xf32>
            %or3A_431 = arith.ori %or3A, %lt3A_430 : vector<16xi1>
            %add3A_432 = arith.constant 48 : i32
            %add3A_433 = arith.addi %mul3A_379, %add3A_432 : i32
            %get3A_434 = arith.index_cast %add3A_433 : i32 to index
            %get3A_435 = tpu.vector_load %arg6[%get3A_434] {strides = array<i32>} : memref<10240xf32, #tpu.memory_space<vmem>>, vector<16xf32>,
            %get3A_436 = arith.index_cast %add3A_433 : i32 to index
            %get3A_437 = tpu.vector_load %arg7[%get3A_436] {strides = array<i32>} : memref<10240xf32, #tpu.memory_space<vmem>>, vector<16xf32>,
            %get3A_438 = arith.index_cast %add3A_433 : i32 to index
            %get3A_439 = tpu.vector_load %arg8[%get3A_438] {strides = array<i32>} : memref<10240xf32, #tpu.memory_space<vmem>>, vector<16xf32>,
            %sub3A_440 = arith.subf %get3A_435, %broadcast_in_dim3A_175 : vector<16xf32>
            %sub3A_441 = arith.subf %get3A_437, %broadcast_in_dim3A_183 : vector<16xf32>
            %sub3A_442 = arith.subf %get3A_439, %broadcast_in_dim3A_191 : vector<16xf32>
            %mul3A_443 = arith.mulf %sub3A_440, %sub3A_440 : vector<16xf32>
            %mul3A_444 = arith.mulf %sub3A_441, %sub3A_441 : vector<16xf32>
            %add3A_445 = arith.addf %mul3A_443, %mul3A_444 : vector<16xf32>
            %mul3A_446 = arith.mulf %sub3A_442, %sub3A_442 : vector<16xf32>
            %add3A_447 = arith.addf %add3A_445, %mul3A_446 : vector<16xf32>
            %lt3A_448 = arith.cmpf olt, %add3A_447, %scan3A_377 : vector<16xf32>
            %or3A_449 = arith.ori %or3A_431, %lt3A_448 : vector<16xi1>
            %all_reduce_population_count3A = tpu.all_reduce %or3A_449 {dim = 0 : i64, kind = #tpu.reduction_kind<sum>} : vector<16xi1> -> vector<16xi32>
            %slice3A_450 = vector.extract_strided_slice %all_reduce_population_count3A {offsets = [0], sizes = [1], strides = [1]} : vector<16xi32> to vector<1xi32>
            %squeeze3A_451 = vector.extract %slice3A_450[0] : i32 from vector<1xi32>
            %gt3A = arith.constant 0 : i32
            %gt3A_452 = arith.cmpi sgt, %squeeze3A_451, %gt3A : i32
            %convert_element_type3A_453 = arith.extui %gt3A_452 : i1 to i32
            %cond3A_454 = arith.constant 0 : i32
            %cond3A_455 = arith.cmpi ne, %convert_element_type3A_453, %cond3A_454 : i32
            %cond3A_456:3 = scf.if %cond3A_455 -> (vector<16xf32>, vector<16xi32>, vector<16xf32>) {
              %lt3A_457 = arith.cmpf olt, %add3A_395, %scan3A_377 : vector<16xf32>
              %all_reduce_population_count3A_458 = tpu.all_reduce %lt3A_457 {dim = 0 : i64, kind = #tpu.reduction_kind<sum>} : vector<16xi1> -> vector<16xi32>
              %slice3A_459 = vector.extract_strided_slice %all_reduce_population_count3A_458 {offsets = [0], sizes = [1], strides = [1]} : vector<16xi32> to vector<1xi32>
              %squeeze3A_460 = vector.extract %slice3A_459[0] : i32 from vector<1xi32>
              %gt3A_461 = arith.constant 0 : i32
              %gt3A_462 = arith.cmpi sgt, %squeeze3A_460, %gt3A_461 : i32
              %convert_element_type3A_463 = arith.extui %gt3A_462 : i1 to i32
              %cond3A_464 = arith.constant 0 : i32
              %cond3A_465 = arith.cmpi ne, %convert_element_type3A_463, %cond3A_464 : i32
              %cond3A_466:3 = scf.if %cond3A_465 -> (vector<16xf32>, vector<16xi32>, vector<16xf32>) {
                %add3A_497 = arith.constant 0 : i32
                %add3A_498 = arith.addi %mul3A_379, %add3A_497 : i32
                %add3A_499 = vector.broadcast %add3A_498 : i32 to vector<16xi32>
                %add3A_500 = arith.addi %add3A_499, %iota3A_328 : vector<16xi32>
                %masked_sort3A = arith.constant dense<true> : vector<16xi1>
                %masked_sort3A_501, %masked_sort3A_502, %masked_sort3A_503 = tpu.sort %add3A_395, %add3A_500 masked %masked_sort3A : (vector<16xf32>, vector<16xi32>, vector<16xi1>) -> (vector<16xi1>, vector<16xf32>, vector<16xi32>)
                %rev3A_504 = arith.constant 15 : i32
                %rev3A_505 = vector.broadcast %rev3A_504 : i32 to vector<16xi32>
                %rev3A_506 = tpu.iota {dimensions = array<i32: 0>} : vector<16xi32>
                %rev3A_507 = arith.subi %rev3A_505, %rev3A_506 : vector<16xi32>
                %rev3A_508 = tpu.dynamic_gather %scan3A_375[%rev3A_507] in [0] : vector<16xf32>, vector<16xi32> -> vector<16xf32>
                %rev3A_509 = arith.constant 15 : i32
                %rev3A_510 = vector.broadcast %rev3A_509 : i32 to vector<16xi32>
                %rev3A_511 = tpu.iota {dimensions = array<i32: 0>} : vector<16xi32>
                %rev3A_512 = arith.subi %rev3A_510, %rev3A_511 : vector<16xi32>
                %rev3A_513 = tpu.dynamic_gather %scan3A_376[%rev3A_512] in [0] : vector<16xi32>, vector<16xi32> -> vector<16xi32>
                %lt3A_514 = arith.cmpf olt, %masked_sort3A_502, %rev3A_508 : vector<16xf32>
                %select_n3A_515 = arith.select %lt3A_514, %masked_sort3A_502, %rev3A_508 : vector<16xi1>, vector<16xf32>
                %select_n3A_516 = arith.select %lt3A_514, %masked_sort3A_503, %rev3A_513 : vector<16xi1>, vector<16xi32>
                %masked_sort3A_517 = arith.constant dense<true> : vector<16xi1>
                %masked_sort3A_518, %masked_sort3A_519, %masked_sort3A_520 = tpu.sort %select_n3A_515, %select_n3A_516 masked %masked_sort3A_517 : (vector<16xf32>, vector<16xi32>, vector<16xi1>) -> (vector<16xi1>, vector<16xf32>, vector<16xi32>)
                %slice3A_521 = vector.extract_strided_slice %masked_sort3A_519 {offsets = [7], sizes = [1], strides = [1]} : vector<16xf32> to vector<1xf32>
                %squeeze3A_522 = vector.extract %slice3A_521[0] : f32 from vector<1xf32>
                %broadcast_in_dim3A_523 = vector.broadcast %squeeze3A_522 : f32 to vector<16xf32>
                scf.yield %masked_sort3A_519, %masked_sort3A_520, %broadcast_in_dim3A_523 : vector<16xf32>, vector<16xi32>, vector<16xf32>
              } else {
                scf.yield %scan3A_375, %scan3A_376, %scan3A_377 : vector<16xf32>, vector<16xi32>, vector<16xf32>
              }
              %lt3A_467 = arith.cmpf olt, %add3A_412, %cond3A_466#2 : vector<16xf32>
              %all_reduce_population_count3A_468 = tpu.all_reduce %lt3A_467 {dim = 0 : i64, kind = #tpu.reduction_kind<sum>} : vector<16xi1> -> vector<16xi32>
              %slice3A_469 = vector.extract_strided_slice %all_reduce_population_count3A_468 {offsets = [0], sizes = [1], strides = [1]} : vector<16xi32> to vector<1xi32>
              %squeeze3A_470 = vector.extract %slice3A_469[0] : i32 from vector<1xi32>
              %gt3A_471 = arith.constant 0 : i32
              %gt3A_472 = arith.cmpi sgt, %squeeze3A_470, %gt3A_471 : i32
              %convert_element_type3A_473 = arith.extui %gt3A_472 : i1 to i32
              %cond3A_474 = arith.constant 0 : i32
              %cond3A_475 = arith.cmpi ne, %convert_element_type3A_473, %cond3A_474 : i32
              %cond3A_476:3 = scf.if %cond3A_475 -> (vector<16xf32>, vector<16xi32>, vector<16xf32>) {
                %add3A_497 = arith.constant 16 : i32
                %add3A_498 = arith.addi %mul3A_379, %add3A_497 : i32
                %add3A_499 = vector.broadcast %add3A_498 : i32 to vector<16xi32>
                %add3A_500 = arith.addi %add3A_499, %iota3A_328 : vector<16xi32>
                %masked_sort3A = arith.constant dense<true> : vector<16xi1>
                %masked_sort3A_501, %masked_sort3A_502, %masked_sort3A_503 = tpu.sort %add3A_412, %add3A_500 masked %masked_sort3A : (vector<16xf32>, vector<16xi32>, vector<16xi1>) -> (vector<16xi1>, vector<16xf32>, vector<16xi32>)
                %rev3A_504 = arith.constant 15 : i32
                %rev3A_505 = vector.broadcast %rev3A_504 : i32 to vector<16xi32>
                %rev3A_506 = tpu.iota {dimensions = array<i32: 0>} : vector<16xi32>
                %rev3A_507 = arith.subi %rev3A_505, %rev3A_506 : vector<16xi32>
                %rev3A_508 = tpu.dynamic_gather %cond3A_466#0[%rev3A_507] in [0] : vector<16xf32>, vector<16xi32> -> vector<16xf32>
                %rev3A_509 = arith.constant 15 : i32
                %rev3A_510 = vector.broadcast %rev3A_509 : i32 to vector<16xi32>
                %rev3A_511 = tpu.iota {dimensions = array<i32: 0>} : vector<16xi32>
                %rev3A_512 = arith.subi %rev3A_510, %rev3A_511 : vector<16xi32>
                %rev3A_513 = tpu.dynamic_gather %cond3A_466#1[%rev3A_512] in [0] : vector<16xi32>, vector<16xi32> -> vector<16xi32>
                %lt3A_514 = arith.cmpf olt, %masked_sort3A_502, %rev3A_508 : vector<16xf32>
                %select_n3A_515 = arith.select %lt3A_514, %masked_sort3A_502, %rev3A_508 : vector<16xi1>, vector<16xf32>
                %select_n3A_516 = arith.select %lt3A_514, %masked_sort3A_503, %rev3A_513 : vector<16xi1>, vector<16xi32>
                %masked_sort3A_517 = arith.constant dense<true> : vector<16xi1>
                %masked_sort3A_518, %masked_sort3A_519, %masked_sort3A_520 = tpu.sort %select_n3A_515, %select_n3A_516 masked %masked_sort3A_517 : (vector<16xf32>, vector<16xi32>, vector<16xi1>) -> (vector<16xi1>, vector<16xf32>, vector<16xi32>)
                %slice3A_521 = vector.extract_strided_slice %masked_sort3A_519 {offsets = [7], sizes = [1], strides = [1]} : vector<16xf32> to vector<1xf32>
                %squeeze3A_522 = vector.extract %slice3A_521[0] : f32 from vector<1xf32>
                %broadcast_in_dim3A_523 = vector.broadcast %squeeze3A_522 : f32 to vector<16xf32>
                scf.yield %masked_sort3A_519, %masked_sort3A_520, %broadcast_in_dim3A_523 : vector<16xf32>, vector<16xi32>, vector<16xf32>
              } else {
                scf.yield %cond3A_466#0, %cond3A_466#1, %cond3A_466#2 : vector<16xf32>, vector<16xi32>, vector<16xf32>
              }
              %lt3A_477 = arith.cmpf olt, %add3A_429, %cond3A_476#2 : vector<16xf32>
              %all_reduce_population_count3A_478 = tpu.all_reduce %lt3A_477 {dim = 0 : i64, kind = #tpu.reduction_kind<sum>} : vector<16xi1> -> vector<16xi32>
              %slice3A_479 = vector.extract_strided_slice %all_reduce_population_count3A_478 {offsets = [0], sizes = [1], strides = [1]} : vector<16xi32> to vector<1xi32>
              %squeeze3A_480 = vector.extract %slice3A_479[0] : i32 from vector<1xi32>
              %gt3A_481 = arith.constant 0 : i32
              %gt3A_482 = arith.cmpi sgt, %squeeze3A_480, %gt3A_481 : i32
              %convert_element_type3A_483 = arith.extui %gt3A_482 : i1 to i32
              %cond3A_484 = arith.constant 0 : i32
              %cond3A_485 = arith.cmpi ne, %convert_element_type3A_483, %cond3A_484 : i32
              %cond3A_486:3 = scf.if %cond3A_485 -> (vector<16xf32>, vector<16xi32>, vector<16xf32>) {
                %add3A_497 = arith.constant 32 : i32
                %add3A_498 = arith.addi %mul3A_379, %add3A_497 : i32
                %add3A_499 = vector.broadcast %add3A_498 : i32 to vector<16xi32>
                %add3A_500 = arith.addi %add3A_499, %iota3A_328 : vector<16xi32>
                %masked_sort3A = arith.constant dense<true> : vector<16xi1>
                %masked_sort3A_501, %masked_sort3A_502, %masked_sort3A_503 = tpu.sort %add3A_429, %add3A_500 masked %masked_sort3A : (vector<16xf32>, vector<16xi32>, vector<16xi1>) -> (vector<16xi1>, vector<16xf32>, vector<16xi32>)
                %rev3A_504 = arith.constant 15 : i32
                %rev3A_505 = vector.broadcast %rev3A_504 : i32 to vector<16xi32>
                %rev3A_506 = tpu.iota {dimensions = array<i32: 0>} : vector<16xi32>
                %rev3A_507 = arith.subi %rev3A_505, %rev3A_506 : vector<16xi32>
                %rev3A_508 = tpu.dynamic_gather %cond3A_476#0[%rev3A_507] in [0] : vector<16xf32>, vector<16xi32> -> vector<16xf32>
                %rev3A_509 = arith.constant 15 : i32
                %rev3A_510 = vector.broadcast %rev3A_509 : i32 to vector<16xi32>
                %rev3A_511 = tpu.iota {dimensions = array<i32: 0>} : vector<16xi32>
                %rev3A_512 = arith.subi %rev3A_510, %rev3A_511 : vector<16xi32>
                %rev3A_513 = tpu.dynamic_gather %cond3A_476#1[%rev3A_512] in [0] : vector<16xi32>, vector<16xi32> -> vector<16xi32>
                %lt3A_514 = arith.cmpf olt, %masked_sort3A_502, %rev3A_508 : vector<16xf32>
                %select_n3A_515 = arith.select %lt3A_514, %masked_sort3A_502, %rev3A_508 : vector<16xi1>, vector<16xf32>
                %select_n3A_516 = arith.select %lt3A_514, %masked_sort3A_503, %rev3A_513 : vector<16xi1>, vector<16xi32>
                %masked_sort3A_517 = arith.constant dense<true> : vector<16xi1>
                %masked_sort3A_518, %masked_sort3A_519, %masked_sort3A_520 = tpu.sort %select_n3A_515, %select_n3A_516 masked %masked_sort3A_517 : (vector<16xf32>, vector<16xi32>, vector<16xi1>) -> (vector<16xi1>, vector<16xf32>, vector<16xi32>)
                %slice3A_521 = vector.extract_strided_slice %masked_sort3A_519 {offsets = [7], sizes = [1], strides = [1]} : vector<16xf32> to vector<1xf32>
                %squeeze3A_522 = vector.extract %slice3A_521[0] : f32 from vector<1xf32>
                %broadcast_in_dim3A_523 = vector.broadcast %squeeze3A_522 : f32 to vector<16xf32>
                scf.yield %masked_sort3A_519, %masked_sort3A_520, %broadcast_in_dim3A_523 : vector<16xf32>, vector<16xi32>, vector<16xf32>
              } else {
                scf.yield %cond3A_476#0, %cond3A_476#1, %cond3A_476#2 : vector<16xf32>, vector<16xi32>, vector<16xf32>
              }
              %lt3A_487 = arith.cmpf olt, %add3A_447, %cond3A_486#2 : vector<16xf32>
              %all_reduce_population_count3A_488 = tpu.all_reduce %lt3A_487 {dim = 0 : i64, kind = #tpu.reduction_kind<sum>} : vector<16xi1> -> vector<16xi32>
              %slice3A_489 = vector.extract_strided_slice %all_reduce_population_count3A_488 {offsets = [0], sizes = [1], strides = [1]} : vector<16xi32> to vector<1xi32>
              %squeeze3A_490 = vector.extract %slice3A_489[0] : i32 from vector<1xi32>
              %gt3A_491 = arith.constant 0 : i32
              %gt3A_492 = arith.cmpi sgt, %squeeze3A_490, %gt3A_491 : i32
              %convert_element_type3A_493 = arith.extui %gt3A_492 : i1 to i32
              %cond3A_494 = arith.constant 0 : i32
              %cond3A_495 = arith.cmpi ne, %convert_element_type3A_493, %cond3A_494 : i32
              %cond3A_496:3 = scf.if %cond3A_495 -> (vector<16xf32>, vector<16xi32>, vector<16xf32>) {
                %add3A_497 = arith.constant 48 : i32
                %add3A_498 = arith.addi %mul3A_379, %add3A_497 : i32
                %add3A_499 = vector.broadcast %add3A_498 : i32 to vector<16xi32>
                %add3A_500 = arith.addi %add3A_499, %iota3A_328 : vector<16xi32>
                %masked_sort3A = arith.constant dense<true> : vector<16xi1>
                %masked_sort3A_501, %masked_sort3A_502, %masked_sort3A_503 = tpu.sort %add3A_447, %add3A_500 masked %masked_sort3A : (vector<16xf32>, vector<16xi32>, vector<16xi1>) -> (vector<16xi1>, vector<16xf32>, vector<16xi32>)
                %rev3A_504 = arith.constant 15 : i32
                %rev3A_505 = vector.broadcast %rev3A_504 : i32 to vector<16xi32>
                %rev3A_506 = tpu.iota {dimensions = array<i32: 0>} : vector<16xi32>
                %rev3A_507 = arith.subi %rev3A_505, %rev3A_506 : vector<16xi32>
                %rev3A_508 = tpu.dynamic_gather %cond3A_486#0[%rev3A_507] in [0] : vector<16xf32>, vector<16xi32> -> vector<16xf32>
                %rev3A_509 = arith.constant 15 : i32
                %rev3A_510 = vector.broadcast %rev3A_509 : i32 to vector<16xi32>
                %rev3A_511 = tpu.iota {dimensions = array<i32: 0>} : vector<16xi32>
                %rev3A_512 = arith.subi %rev3A_510, %rev3A_511 : vector<16xi32>
                %rev3A_513 = tpu.dynamic_gather %cond3A_486#1[%rev3A_512] in [0] : vector<16xi32>, vector<16xi32> -> vector<16xi32>
                %lt3A_514 = arith.cmpf olt, %masked_sort3A_502, %rev3A_508 : vector<16xf32>
                %select_n3A_515 = arith.select %lt3A_514, %masked_sort3A_502, %rev3A_508 : vector<16xi1>, vector<16xf32>
                %select_n3A_516 = arith.select %lt3A_514, %masked_sort3A_503, %rev3A_513 : vector<16xi1>, vector<16xi32>
                %masked_sort3A_517 = arith.constant dense<true> : vector<16xi1>
                %masked_sort3A_518, %masked_sort3A_519, %masked_sort3A_520 = tpu.sort %select_n3A_515, %select_n3A_516 masked %masked_sort3A_517 : (vector<16xf32>, vector<16xi32>, vector<16xi1>) -> (vector<16xi1>, vector<16xf32>, vector<16xi32>)
                %slice3A_521 = vector.extract_strided_slice %masked_sort3A_519 {offsets = [7], sizes = [1], strides = [1]} : vector<16xf32> to vector<1xf32>
                %squeeze3A_522 = vector.extract %slice3A_521[0] : f32 from vector<1xf32>
                %broadcast_in_dim3A_523 = vector.broadcast %squeeze3A_522 : f32 to vector<16xf32>
                scf.yield %masked_sort3A_519, %masked_sort3A_520, %broadcast_in_dim3A_523 : vector<16xf32>, vector<16xi32>, vector<16xf32>
              } else {
                scf.yield %cond3A_486#0, %cond3A_486#1, %cond3A_486#2 : vector<16xf32>, vector<16xi32>, vector<16xf32>
              }
              scf.yield %cond3A_496#0, %cond3A_496#1, %cond3A_496#2 : vector<16xf32>, vector<16xi32>, vector<16xf32>
            } else {
              scf.yield %scan3A_375, %scan3A_376, %scan3A_377 : vector<16xf32>, vector<16xi32>, vector<16xf32>
            }
            scf.yield %cond3A_456#0, %cond3A_456#1, %cond3A_456#2 : vector<16xf32>, vector<16xi32>, vector<16xf32>
          }
          %scan3A_340 = arith.constant 160 : i32
          %gather3A_341 = tpu.vector_load_idx %arg6[%scan3A_339#1] : memref<10240xf32, #tpu.memory_space<vmem>>[vector<16xi32>], vector<16xf32>,
          %gather3A_342 = tpu.vector_load_idx %arg7[%scan3A_339#1] : memref<10240xf32, #tpu.memory_space<vmem>>[vector<16xi32>], vector<16xf32>,
          %gather3A_343 = tpu.vector_load_idx %arg8[%scan3A_339#1] : memref<10240xf32, #tpu.memory_space<vmem>>[vector<16xi32>], vector<16xf32>,
          %jit3A_344 = arith.constant 0.000000e+00 : f32
          %broadcast_in_dim3A_345 = vector.broadcast %jit3A_344 : f32 to vector<16xf32>
          %select_n3A_346 = arith.select %lt3A_42, %gather3A_341, %broadcast_in_dim3A_345 : vector<16xi1>, vector<16xf32>
          %reduce_sum3A_347 = arith.constant true
          %reduce_sum3A_348 = vector.broadcast %reduce_sum3A_347 : i1 to vector<16xi1>
          %reduce_sum3A_349 = tpu.scan <sum>, %select_n3A_346 masked %reduce_sum3A_348 : vector<16xf32>, vector<16xi1> -> vector<16xf32>
          %reduce_sum3A_350 = vector.extract %reduce_sum3A_349[15] : f32 from vector<16xf32>
          %mul3A_351 = arith.constant 1.250000e-01 : f32
          %mul3A_352 = arith.mulf %reduce_sum3A_350, %mul3A_351 : f32
          %broadcast_in_dim3A_353 = vector.broadcast %mul3A_352 : f32 to vector<16xf32>
          %jit3A_354 = arith.constant 0.000000e+00 : f32
          %broadcast_in_dim3A_355 = vector.broadcast %jit3A_354 : f32 to vector<16xf32>
          %select_n3A_356 = arith.select %lt3A_42, %gather3A_342, %broadcast_in_dim3A_355 : vector<16xi1>, vector<16xf32>
          %reduce_sum3A_357 = arith.constant true
          %reduce_sum3A_358 = vector.broadcast %reduce_sum3A_357 : i1 to vector<16xi1>
          %reduce_sum3A_359 = tpu.scan <sum>, %select_n3A_356 masked %reduce_sum3A_358 : vector<16xf32>, vector<16xi1> -> vector<16xf32>
          %reduce_sum3A_360 = vector.extract %reduce_sum3A_359[15] : f32 from vector<16xf32>
          %mul3A_361 = arith.constant 1.250000e-01 : f32
          %mul3A_362 = arith.mulf %reduce_sum3A_360, %mul3A_361 : f32
          %broadcast_in_dim3A_363 = vector.broadcast %mul3A_362 : f32 to vector<16xf32>
          %jit3A_364 = arith.constant 0.000000e+00 : f32
          %broadcast_in_dim3A_365 = vector.broadcast %jit3A_364 : f32 to vector<16xf32>
          %select_n3A_366 = arith.select %lt3A_42, %gather3A_343, %broadcast_in_dim3A_365 : vector<16xi1>, vector<16xf32>
          %reduce_sum3A_367 = arith.constant true
          %reduce_sum3A_368 = vector.broadcast %reduce_sum3A_367 : i1 to vector<16xi1>
          %reduce_sum3A_369 = tpu.scan <sum>, %select_n3A_366 masked %reduce_sum3A_368 : vector<16xf32>, vector<16xi1> -> vector<16xf32>
          %reduce_sum3A_370 = vector.extract %reduce_sum3A_369[15] : f32 from vector<16xf32>
          %mul3A_371 = arith.constant 1.250000e-01 : f32
          %mul3A_372 = arith.mulf %reduce_sum3A_370, %mul3A_371 : f32
          %broadcast_in_dim3A_373 = vector.broadcast %mul3A_372 : f32 to vector<16xf32>
          scf.yield %broadcast_in_dim3A_353, %broadcast_in_dim3A_363, %broadcast_in_dim3A_373 : vector<16xf32>, vector<16xf32>, vector<16xf32>
        }
        %sub3A_322 = arith.subf %broadcast_in_dim3A_175, %cond3A_321#0 : vector<16xf32>
        %select_n3A_323 = arith.select %eq3A_168, %sub3A_322, %scan3A_165 : vector<16xi1>, vector<16xf32>
        %sub3A_324 = arith.subf %broadcast_in_dim3A_183, %cond3A_321#1 : vector<16xf32>
        %select_n3A_325 = arith.select %eq3A_168, %sub3A_324, %scan3A_166 : vector<16xi1>, vector<16xf32>
        %sub3A_326 = arith.subf %broadcast_in_dim3A_191, %cond3A_321#2 : vector<16xf32>
        %select_n3A_327 = arith.select %eq3A_168, %sub3A_326, %scan3A_167 : vector<16xi1>, vector<16xf32>
        scf.yield %select_n3A_323, %select_n3A_325, %select_n3A_327 : vector<16xf32>, vector<16xf32>, vector<16xf32>
      }
      %scan3A_152 = arith.constant 16 : i32
      %swap3A_153 = arith.index_cast %mul3A_61 : i32 to index
      %swap3A_154 = tpu.vector_load %arg11[%swap3A_153] {strides = array<i32>} : memref<384xf32, #tpu.memory_space<vmem>>, vector<16xf32>,
      tpu.vector_store %arg11[%swap3A_153], %scan3A_151#0 {strides = array<i32>} : memref<384xf32, #tpu.memory_space<vmem>>, vector<16xf32>,
      %add3A_155 = arith.constant 16 : i32
      %add3A_156 = arith.addi %mul3A_61, %add3A_155 : i32
      %swap3A_157 = arith.index_cast %add3A_156 : i32 to index
      %swap3A_158 = tpu.vector_load %arg11[%swap3A_157] {strides = array<i32>} : memref<384xf32, #tpu.memory_space<vmem>>, vector<16xf32>,
      tpu.vector_store %arg11[%swap3A_157], %scan3A_151#1 {strides = array<i32>} : memref<384xf32, #tpu.memory_space<vmem>>, vector<16xf32>,
      %add3A_159 = arith.constant 32 : i32
      %add3A_160 = arith.addi %mul3A_61, %add3A_159 : i32
      %swap3A_161 = arith.index_cast %add3A_160 : i32 to index
      %swap3A_162 = tpu.vector_load %arg11[%swap3A_161] {strides = array<i32>} : memref<384xf32, #tpu.memory_space<vmem>>, vector<16xf32>,
      tpu.vector_store %arg11[%swap3A_161], %scan3A_151#2 {strides = array<i32>} : memref<384xf32, #tpu.memory_space<vmem>>, vector<16xf32>,
      %scan3A_163 = arith.constant 0 : i32
      scf.yield %scan3A_163 : i32
    }
    %scan3A_49 = arith.constant 8 : i32
    %mul3A_50 = arith.constant 8 : i32
    %mul3A_51 = arith.muli %add3A, %mul3A_50 : i32
    %mul3A_52 = arith.constant 3 : i32
    %mul3A_53 = arith.muli %mul3A_51, %mul3A_52 : i32
    %mul3A_54 = arith.constant 16 : i32
    %mul3A_55 = arith.muli %mul3A_53, %mul3A_54 : i32
    "tpu.region"() ({
      %run_scoped3A = tpu.sem_alloc : memref<!tpu.dma_semaphore, #tpu.memory_space<semaphore_mem>>
      %dma_start3A = tpu.memref_slice %arg4[%mul3A_55] : memref<12288xf32, #tpu.memory_space<hbm>> -> memref<384xf32, #tpu.memory_space<hbm>>
      %dma_start3A_56 = tpu.memref_slice %arg4[%mul3A_55] : memref<12288xf32, #tpu.memory_space<hbm>> -> memref<384xf32, #tpu.memory_space<hbm>>
      tpu.enqueue_dma source(%arg10 : memref<384xf32, #tpu.memory_space<vmem>>) target(%dma_start3A_56 : memref<384xf32, #tpu.memory_space<hbm>>) target_semaphore(%run_scoped3A : memref<!tpu.dma_semaphore, #tpu.memory_space<semaphore_mem>>)
      %dma_wait3A = tpu.memref_slice %arg4[%mul3A_55] : memref<12288xf32, #tpu.memory_space<hbm>> -> memref<384xf32, #tpu.memory_space<hbm>>
      %dma_wait3A_57 = tpu.memref_slice %arg4[%mul3A_55] : memref<12288xf32, #tpu.memory_space<hbm>> -> memref<384xf32, #tpu.memory_space<hbm>>
      tpu.wait_dma2 semaphore(%run_scoped3A : memref<!tpu.dma_semaphore, #tpu.memory_space<semaphore_mem>>) src(%arg10 : memref<384xf32, #tpu.memory_space<vmem>>) dst(%dma_wait3A_57 : memref<384xf32, #tpu.memory_space<hbm>>)
      tpu.yield
    }) : () -> ()
    "tpu.region"() ({
      %run_scoped3A = tpu.sem_alloc : memref<!tpu.dma_semaphore, #tpu.memory_space<semaphore_mem>>
      %dma_start3A = tpu.memref_slice %arg5[%mul3A_55] : memref<12288xf32, #tpu.memory_space<hbm>> -> memref<384xf32, #tpu.memory_space<hbm>>
      %dma_start3A_56 = tpu.memref_slice %arg5[%mul3A_55] : memref<12288xf32, #tpu.memory_space<hbm>> -> memref<384xf32, #tpu.memory_space<hbm>>
      tpu.enqueue_dma source(%arg11 : memref<384xf32, #tpu.memory_space<vmem>>) target(%dma_start3A_56 : memref<384xf32, #tpu.memory_space<hbm>>) target_semaphore(%run_scoped3A : memref<!tpu.dma_semaphore, #tpu.memory_space<semaphore_mem>>)
      %dma_wait3A = tpu.memref_slice %arg5[%mul3A_55] : memref<12288xf32, #tpu.memory_space<hbm>> -> memref<384xf32, #tpu.memory_space<hbm>>
      %dma_wait3A_57 = tpu.memref_slice %arg5[%mul3A_55] : memref<12288xf32, #tpu.memory_space<hbm>> -> memref<384xf32, #tpu.memory_space<hbm>>
      tpu.wait_dma2 semaphore(%run_scoped3A : memref<!tpu.dma_semaphore, #tpu.memory_space<semaphore_mem>>) src(%arg11 : memref<384xf32, #tpu.memory_space<vmem>>) dst(%dma_wait3A_57 : memref<384xf32, #tpu.memory_space<hbm>>)
      tpu.yield
    }) : () -> ()
    return
  }
}

module attributes {stable_mosaic.version = 14 : i64} {
  func.func @_tc_body(%arg0: memref<256x8xf32, #tpu.memory_space<vmem>>, %arg1: memref<4096x8xf32, #tpu.memory_space<vmem>>, %arg2: memref<4096x8xf32, #tpu.memory_space<vmem>>, %arg3: memref<8x64xf32, #tpu.memory_space<vmem>>, %arg4: memref<1x64xf32, #tpu.memory_space<vmem>>, %arg5: memref<64x128xf32, #tpu.memory_space<vmem>>, %arg6: memref<1x128xf32, #tpu.memory_space<vmem>>, %arg7: memref<8x128xf32, #tpu.memory_space<vmem>>, %arg8: memref<128x128xf32, #tpu.memory_space<vmem>>, %arg9: memref<1x128xf32, #tpu.memory_space<vmem>>, %arg10: memref<128x128xf32, #tpu.memory_space<vmem>>, %arg11: memref<1x128xf32, #tpu.memory_space<vmem>>, %arg12: memref<128x128xf32, #tpu.memory_space<vmem>>, %arg13: memref<1x128xf32, #tpu.memory_space<vmem>>, %arg14: memref<128x128xf32, #tpu.memory_space<vmem>>, %arg15: memref<1x128xf32, #tpu.memory_space<vmem>>, %arg16: memref<128x128xf32, #tpu.memory_space<vmem>>, %arg17: memref<1x128xf32, #tpu.memory_space<vmem>>, %arg18: memref<128x8xf32, #tpu.memory_space<vmem>>, %arg19: memref<1x8xf32, #tpu.memory_space<vmem>>, %arg20: memref<1x1xf32, #tpu.memory_space<vmem>>) attributes {dimension_semantics = [], scalar_prefetch = 0 : i64, scratch_operands = 0 : i64, tpu.core_type = #tpu.core_type<tc>} {
    %get3A = arith.constant 0 : index
    %get3A_0 = arith.constant 0 : index
    %get3A_1 = vector.load %arg0[%get3A, %get3A_0] : memref<256x8xf32, #tpu.memory_space<vmem>>, vector<256x8xf32>
    %get3A_2 = arith.constant 0 : index
    %get3A_3 = arith.constant 0 : index
    %get3A_4 = vector.load %arg3[%get3A_2, %get3A_3] : memref<8x64xf32, #tpu.memory_space<vmem>>, vector<8x64xf32>
    %dot_general3A = arith.constant dense<0.000000e+00> : vector<256x64xf32>
    %dot_general3A_5 = tpu.matmul %get3A_1, %get3A_4, %dot_general3A {dimension_numbers = #tpu.dot_dimension_numbers<[1], [0], [0], [1], [0, 0, 1, 1], [], []>, transpose_lhs_hint = false} : vector<256x8xf32>, vector<8x64xf32>, vector<256x64xf32> -> vector<256x64xf32>
    %get3A_6 = arith.constant 0 : index
    %get3A_7 = arith.constant 0 : index
    %get3A_8 = vector.load %arg4[%get3A_6, %get3A_7] : memref<1x64xf32, #tpu.memory_space<vmem>>, vector<1x64xf32>
    %add3A = vector.broadcast %get3A_8 : vector<1x64xf32> to vector<256x64xf32>
    %add3A_9 = arith.addf %dot_general3A_5, %add3A : vector<256x64xf32>
    %max3A = arith.constant 0.000000e+00 : f32
    %max3A_10 = vector.broadcast %max3A : f32 to vector<256x64xf32>
    %max3A_11 = arith.maximumf %add3A_9, %max3A_10 : vector<256x64xf32>
    %get3A_12 = arith.constant 0 : index
    %get3A_13 = arith.constant 0 : index
    %get3A_14 = vector.load %arg5[%get3A_12, %get3A_13] : memref<64x128xf32, #tpu.memory_space<vmem>>, vector<64x128xf32>
    %dot_general3A_15 = arith.constant dense<0.000000e+00> : vector<256x128xf32>
    %dot_general3A_16 = tpu.matmul %max3A_11, %get3A_14, %dot_general3A_15 {dimension_numbers = #tpu.dot_dimension_numbers<[1], [0], [0], [1], [0, 0, 1, 1], [], []>, transpose_lhs_hint = false} : vector<256x64xf32>, vector<64x128xf32>, vector<256x128xf32> -> vector<256x128xf32>
    %get3A_17 = arith.constant 0 : index
    %get3A_18 = arith.constant 0 : index
    %get3A_19 = vector.load %arg6[%get3A_17, %get3A_18] : memref<1x128xf32, #tpu.memory_space<vmem>>, vector<1x128xf32>
    %add3A_20 = vector.broadcast %get3A_19 : vector<1x128xf32> to vector<256x128xf32>
    %add3A_21 = arith.addf %dot_general3A_16, %add3A_20 : vector<256x128xf32>
    %get3A_22 = arith.constant 0 : index
    %get3A_23 = arith.constant 0 : index
    %get3A_24 = vector.load %arg8[%get3A_22, %get3A_23] : memref<128x128xf32, #tpu.memory_space<vmem>>, vector<128x128xf32>
    %dot_general3A_25 = arith.constant dense<0.000000e+00> : vector<256x128xf32>
    %dot_general3A_26 = tpu.matmul %add3A_21, %get3A_24, %dot_general3A_25 {dimension_numbers = #tpu.dot_dimension_numbers<[1], [0], [0], [1], [0, 0, 1, 1], [], []>, transpose_lhs_hint = false} : vector<256x128xf32>, vector<128x128xf32>, vector<256x128xf32> -> vector<256x128xf32>
    %get3A_27 = arith.constant 0 : index
    %get3A_28 = arith.constant 0 : index
    %get3A_29 = vector.load %arg1[%get3A_27, %get3A_28] : memref<4096x8xf32, #tpu.memory_space<vmem>>, vector<4096x8xf32>
    %get3A_30 = arith.constant 0 : index
    %get3A_31 = arith.constant 0 : index
    %get3A_32 = vector.load %arg7[%get3A_30, %get3A_31] : memref<8x128xf32, #tpu.memory_space<vmem>>, vector<8x128xf32>
    %dot_general3A_33 = arith.constant dense<0.000000e+00> : vector<4096x128xf32>
    %dot_general3A_34 = tpu.matmul %get3A_29, %get3A_32, %dot_general3A_33 {dimension_numbers = #tpu.dot_dimension_numbers<[1], [0], [0], [1], [0, 0, 1, 1], [], []>, transpose_lhs_hint = false} : vector<4096x8xf32>, vector<8x128xf32>, vector<4096x128xf32> -> vector<4096x128xf32>
    %broadcast_in_dim3A = vector.shape_cast %dot_general3A_26 : vector<256x128xf32> to vector<256x1x128xf32>
    %broadcast_in_dim3A_35 = vector.shape_cast %broadcast_in_dim3A : vector<256x1x128xf32> to vector<256x1x128xf32>
    %broadcast_in_dim3A_36 = vector.broadcast %broadcast_in_dim3A_35 : vector<256x1x128xf32> to vector<256x16x128xf32>
    %reshape3A = vector.shape_cast %broadcast_in_dim3A_36 : vector<256x16x128xf32> to vector<4096x128xf32>
    %add3A_37 = arith.addf %dot_general3A_34, %reshape3A : vector<4096x128xf32>
    %get3A_38 = arith.constant 0 : index
    %get3A_39 = arith.constant 0 : index
    %get3A_40 = vector.load %arg9[%get3A_38, %get3A_39] : memref<1x128xf32, #tpu.memory_space<vmem>>, vector<1x128xf32>
    %add3A_41 = vector.broadcast %get3A_40 : vector<1x128xf32> to vector<4096x128xf32>
    %add3A_42 = arith.addf %add3A_37, %add3A_41 : vector<4096x128xf32>
    %max3A_43 = arith.constant 0.000000e+00 : f32
    %max3A_44 = vector.broadcast %max3A_43 : f32 to vector<4096x128xf32>
    %max3A_45 = arith.maximumf %add3A_42, %max3A_44 : vector<4096x128xf32>
    %get3A_46 = arith.constant 0 : index
    %get3A_47 = arith.constant 0 : index
    %get3A_48 = vector.load %arg10[%get3A_46, %get3A_47] : memref<128x128xf32, #tpu.memory_space<vmem>>, vector<128x128xf32>
    %dot_general3A_49 = arith.constant dense<0.000000e+00> : vector<4096x128xf32>
    %dot_general3A_50 = tpu.matmul %max3A_45, %get3A_48, %dot_general3A_49 {dimension_numbers = #tpu.dot_dimension_numbers<[1], [0], [0], [1], [0, 0, 1, 1], [], []>, transpose_lhs_hint = false} : vector<4096x128xf32>, vector<128x128xf32>, vector<4096x128xf32> -> vector<4096x128xf32>
    %get3A_51 = arith.constant 0 : index
    %get3A_52 = arith.constant 0 : index
    %get3A_53 = vector.load %arg11[%get3A_51, %get3A_52] : memref<1x128xf32, #tpu.memory_space<vmem>>, vector<1x128xf32>
    %add3A_54 = vector.broadcast %get3A_53 : vector<1x128xf32> to vector<4096x128xf32>
    %add3A_55 = arith.addf %dot_general3A_50, %add3A_54 : vector<4096x128xf32>
    %max3A_56 = arith.constant 0.000000e+00 : f32
    %max3A_57 = vector.broadcast %max3A_56 : f32 to vector<4096x128xf32>
    %max3A_58 = arith.maximumf %add3A_55, %max3A_57 : vector<4096x128xf32>
    %add3A_59 = arith.addf %max3A_45, %max3A_58 : vector<4096x128xf32>
    %get3A_60 = arith.constant 0 : index
    %get3A_61 = arith.constant 0 : index
    %get3A_62 = vector.load %arg12[%get3A_60, %get3A_61] : memref<128x128xf32, #tpu.memory_space<vmem>>, vector<128x128xf32>
    %dot_general3A_63 = arith.constant dense<0.000000e+00> : vector<4096x128xf32>
    %dot_general3A_64 = tpu.matmul %add3A_59, %get3A_62, %dot_general3A_63 {dimension_numbers = #tpu.dot_dimension_numbers<[1], [0], [0], [1], [0, 0, 1, 1], [], []>, transpose_lhs_hint = false} : vector<4096x128xf32>, vector<128x128xf32>, vector<4096x128xf32> -> vector<4096x128xf32>
    %get3A_65 = arith.constant 0 : index
    %get3A_66 = arith.constant 0 : index
    %get3A_67 = vector.load %arg13[%get3A_65, %get3A_66] : memref<1x128xf32, #tpu.memory_space<vmem>>, vector<1x128xf32>
    %add3A_68 = vector.broadcast %get3A_67 : vector<1x128xf32> to vector<4096x128xf32>
    %add3A_69 = arith.addf %dot_general3A_64, %add3A_68 : vector<4096x128xf32>
    %max3A_70 = arith.constant 0.000000e+00 : f32
    %max3A_71 = vector.broadcast %max3A_70 : f32 to vector<4096x128xf32>
    %max3A_72 = arith.maximumf %add3A_69, %max3A_71 : vector<4096x128xf32>
    %add3A_73 = arith.addf %add3A_59, %max3A_72 : vector<4096x128xf32>
    %get3A_74 = arith.constant 0 : index
    %get3A_75 = arith.constant 0 : index
    %get3A_76 = vector.load %arg14[%get3A_74, %get3A_75] : memref<128x128xf32, #tpu.memory_space<vmem>>, vector<128x128xf32>
    %dot_general3A_77 = arith.constant dense<0.000000e+00> : vector<4096x128xf32>
    %dot_general3A_78 = tpu.matmul %add3A_73, %get3A_76, %dot_general3A_77 {dimension_numbers = #tpu.dot_dimension_numbers<[1], [0], [0], [1], [0, 0, 1, 1], [], []>, transpose_lhs_hint = false} : vector<4096x128xf32>, vector<128x128xf32>, vector<4096x128xf32> -> vector<4096x128xf32>
    %get3A_79 = arith.constant 0 : index
    %get3A_80 = arith.constant 0 : index
    %get3A_81 = vector.load %arg15[%get3A_79, %get3A_80] : memref<1x128xf32, #tpu.memory_space<vmem>>, vector<1x128xf32>
    %add3A_82 = vector.broadcast %get3A_81 : vector<1x128xf32> to vector<4096x128xf32>
    %add3A_83 = arith.addf %dot_general3A_78, %add3A_82 : vector<4096x128xf32>
    %max3A_84 = arith.constant 0.000000e+00 : f32
    %max3A_85 = vector.broadcast %max3A_84 : f32 to vector<4096x128xf32>
    %max3A_86 = arith.maximumf %add3A_83, %max3A_85 : vector<4096x128xf32>
    %add3A_87 = arith.addf %add3A_73, %max3A_86 : vector<4096x128xf32>
    %get3A_88 = arith.constant 0 : index
    %get3A_89 = arith.constant 0 : index
    %get3A_90 = vector.load %arg16[%get3A_88, %get3A_89] : memref<128x128xf32, #tpu.memory_space<vmem>>, vector<128x128xf32>
    %dot_general3A_91 = arith.constant dense<0.000000e+00> : vector<4096x128xf32>
    %dot_general3A_92 = tpu.matmul %add3A_87, %get3A_90, %dot_general3A_91 {dimension_numbers = #tpu.dot_dimension_numbers<[1], [0], [0], [1], [0, 0, 1, 1], [], []>, transpose_lhs_hint = false} : vector<4096x128xf32>, vector<128x128xf32>, vector<4096x128xf32> -> vector<4096x128xf32>
    %get3A_93 = arith.constant 0 : index
    %get3A_94 = arith.constant 0 : index
    %get3A_95 = vector.load %arg17[%get3A_93, %get3A_94] : memref<1x128xf32, #tpu.memory_space<vmem>>, vector<1x128xf32>
    %add3A_96 = vector.broadcast %get3A_95 : vector<1x128xf32> to vector<4096x128xf32>
    %add3A_97 = arith.addf %dot_general3A_92, %add3A_96 : vector<4096x128xf32>
    %max3A_98 = arith.constant 0.000000e+00 : f32
    %max3A_99 = vector.broadcast %max3A_98 : f32 to vector<4096x128xf32>
    %max3A_100 = arith.maximumf %add3A_97, %max3A_99 : vector<4096x128xf32>
    %add3A_101 = arith.addf %add3A_87, %max3A_100 : vector<4096x128xf32>
    %get3A_102 = arith.constant 0 : index
    %get3A_103 = arith.constant 0 : index
    %get3A_104 = vector.load %arg18[%get3A_102, %get3A_103] : memref<128x8xf32, #tpu.memory_space<vmem>>, vector<128x8xf32>
    %dot_general3A_105 = arith.constant dense<0.000000e+00> : vector<4096x8xf32>
    %dot_general3A_106 = tpu.matmul %add3A_101, %get3A_104, %dot_general3A_105 {dimension_numbers = #tpu.dot_dimension_numbers<[1], [0], [0], [1], [0, 0, 1, 1], [], []>, transpose_lhs_hint = false} : vector<4096x128xf32>, vector<128x8xf32>, vector<4096x8xf32> -> vector<4096x8xf32>
    %get3A_107 = arith.constant 0 : index
    %get3A_108 = arith.constant 0 : index
    %get3A_109 = vector.load %arg19[%get3A_107, %get3A_108] : memref<1x8xf32, #tpu.memory_space<vmem>>, vector<1x8xf32>
    %add3A_110 = vector.broadcast %get3A_109 : vector<1x8xf32> to vector<4096x8xf32>
    %add3A_111 = arith.addf %dot_general3A_106, %add3A_110 : vector<4096x8xf32>
    %get3A_112 = arith.constant 0 : index
    %get3A_113 = arith.constant 0 : index
    %get3A_114 = vector.load %arg2[%get3A_112, %get3A_113] : memref<4096x8xf32, #tpu.memory_space<vmem>>, vector<4096x8xf32>
    %add3A_115 = arith.addf %add3A_111, %get3A_114 : vector<4096x8xf32>
    %mul3A = arith.mulf %add3A_115, %add3A_115 : vector<4096x8xf32>
    %reduce_sum3A = vector.shape_cast %mul3A : vector<4096x8xf32> to vector<1x4096x8xf32>
    %reduce_sum3A_116 = arith.constant dense<0.000000e+00> : vector<1xf32>
    %reduce_sum3A_117 = vector.multi_reduction <add>, %reduce_sum3A, %reduce_sum3A_116 [1, 2] : vector<1x4096x8xf32> to vector<1xf32>
    %reduce_sum3A_118 = vector.shape_cast %reduce_sum3A_117 : vector<1xf32> to vector<1x1x1xf32>
    %reduce_sum3A_119 = vector.extract %reduce_sum3A_118[0, 0, 0] : f32 from vector<1x1x1xf32>
    %broadcast_in_dim3A_120 = vector.broadcast %reduce_sum3A_119 : f32 to vector<1x1xf32>
    %mul3A_121 = arith.constant 0.0122070313 : f32
    %mul3A_122 = vector.broadcast %mul3A_121 : f32 to vector<1x1xf32>
    %mul3A_123 = arith.mulf %mul3A_122, %broadcast_in_dim3A_120 : vector<1x1xf32>
    %swap3A = arith.constant 0 : index
    %swap3A_124 = arith.constant 0 : index
    %swap3A_125 = vector.load %arg20[%swap3A, %swap3A_124] : memref<1x1xf32, #tpu.memory_space<vmem>>, vector<1x1xf32>
    tpu.vector_store %arg20[%swap3A, %swap3A_124], %mul3A_123 {strides = array<i32>} : memref<1x1xf32, #tpu.memory_space<vmem>>, vector<1x1xf32>,
    return
  }
}

</mosaic_0001>

<sc_bundles>
// kernel: kernel.4.cloned.1.call-start
scs
__scs_entry_jumppad:
0x0: {  	(pc) =	sbr.rel $0x88, $3  }
0x1: {  	(tag) =	ssettag $0x0;
	lr =	simm.s32 $0x1  }
0x2: {  	[smem:$0x3F90] =	sst lr;
	_ =	strace $0xD0000000  }
0x3: {  	_ = 	snop  }
0x4: {  	_ = 	snop  }
0x5: {  	_ = 	snop  }
0x6: {  	_ = 	snop  }
0x7: {  	_ = 	snop  }
__scs_overlays_trampoline_lowered:
0x8: {  	[smem:$0x3F9F] =	sst s0  }
0x9: {  	[smem:$0x3FA0] =	sst s1  }
0xa: {  	[smem:$0x3FA1] =	sst s2  }
0xb: {  	[smem:$0x3FA2] =	sst s3  }
0xc: {  	[smem:$0x3FA3] =	sst s4  }
0xd: {  	[smem:$0x3FA4] =	sst s5  }
0xe: {  	[smem:$0x3FA5] =	sst s6  }
0xf: {  	[smem:$0x3FA6] =	sst s7  }
0x10: {  	[smem:$0x3FA7] =	sst s8  }
0x11: {  	[smem:$0x3FA8] =	sst s9;
	s0 =	simm.s32 @!p0 $0x0  }
0x12: {  	s1 =	sld [smem:$0x3F8E];
	s0 =	simm.s32 @p0 $0x1  }
0x13: {  	[smem:$0x3FA9] =	sst s0;
	s0 =	simm.s32 @!p1 $0x0  }
0x14: {  	s2 =	sld [smem:$0x3F8D];
	s0 =	simm.s32 @p1 $0x1  }
0x15: {  	[smem:$0x3FAA] =	sst s0;
	s0 =	simm.s32 @!p2 $0x0  }
0x16: {  	s3 =	sld [smem:$0x3FDB];
	s0 =	simm.s32 @p2 $0x1  }
0x17: {  	s4 =	simm.s32 $0x1BF5;
	[smem:$0x3FAC] =	sst s0  }
0x18: {  	s0 =	sld [smem:$0x3F8F];
	_ =	swait.ge [sflag:s4], $0x0  }
0x19: {  	s7 =	sld [smem:$0x3F90]  }
0x1a: {  	s8 =	sadd.s32 $0xFFFFE003, lr  }
0x1b: {  	s9 =	sadd.s32 $0xFFFFFEF7, lr;
	s5 =	simm.s32 $0xFFFFFFFF;
	p2 =	slt.u32 s8, $0xFFFFF086  }
0x1c: {  	p1 =	slt.u32 s9, $0xF7A;
	s5 =	simm.s32 @!p2 $0x0  }
0x1d: {  	s5 =	simm.s32 @p1 $0x1;
	p0 =	seq.s32 s7, s2  }
0x1e: {  	s7 =	smul.u32 @!p0 $0xF7A, s2;
	p2 =	seq.s32 @!p0 s5, $0x0  }
0x1f: {  	s9 =	smul.u32 $0xF7A, s1;
	s8 =	simm.s32 @!p0 $0x1BF5;
	p2 =	por !p2, p0  }
0x20: {  	[sflag:s8] =	ssyncset.s32 @!p0 $0xFFFFF086;
	s6 =	sadd.s32 @!p0 s3, s7;
	s7 =	simm.s32 @!p0 $0x108  }
0x21: {  	s3 =	sadd.s32 s3, s9;
	s6 =	sadd.s32 @!p0 $0x88, s6;
	s7 =	simm.s32 @p2 $0x1082  }
0x22: {  	[simem:s7], [sflag:s8] =	dma.local @!p0 [hbm:s6], $0xF7A  }
0x23: {  	s9 =	sor.u32 $0xD0000000, s2;
	s6 =	simm.s32 $0x108;
	_ =	swait.ge @!p0 [sflag:s8], $0x0  }
0x24: {  	s3 =	sadd.s32 $0x88, s3;
	s6 =	simm.s32 @!p1 $0x1082;
	[sflag:s4] =	ssyncset.s32 $0xFFFFF086  }
0x25: {  	[simem:s6], [sflag:s4] =	dma.local [hbm:s3], $0xF7A  }
0x26: {  	[smem:$0x3F90] =	sst s1;
	(tag) =	ssettag s2;
	_ =	strace s9  }
0x27: {  	s1 =	sld [smem:$0x3FA0]  }
0x28: {  	s2 =	sld [smem:$0x3FA1]  }
0x29: {  	s4 =	sld [smem:$0x3FA3]  }
0x2a: {  	p0 =	seq.s32 s5, $0x0;
	s5 =	sld [smem:$0x3FA4]  }
0x2b: {  	s6 =	sld [smem:$0x3FA5]  }
0x2c: {  	s7 =	sld [smem:$0x3FA6]  }
0x2d: {  	s3 =	simm.s32 $0x108;
	s8 =	sld [smem:$0x3FA7]  }
0x2e: {  	s3 =	simm.s32 @!p0 $0x1082;
	s9 =	sld [smem:$0x3FA8]  }
0x2f: {  	lr =	sadd.s32 s0, s3;
	s0 =	sld [smem:$0x3F9F]  }
0x30: {  	s3 =	sld [smem:$0x3FA2]  }
0x31: {  	[smem:$0x3FAB] =	sst s10  }
0x32: {  	s10 =	sld [smem:$0x3FA9];
	_ =	sdelay $0x3  }
0x33: {  	p0 =	seq.s32 s10, $0x1;
	s10 =	sld [smem:$0x3FAB];
	_ =	sdelay $0x3  }
0x34: {  	[smem:$0x3FAB] =	sst s10  }
0x35: {  	s10 =	sld [smem:$0x3FAA];
	_ =	sdelay $0x3  }
0x36: {  	p1 =	seq.s32 s10, $0x1;
	s10 =	sld [smem:$0x3FAB];
	_ =	sdelay $0x3  }
0x37: {  	[smem:$0x3FAB] =	sst s10  }
0x38: {  	s10 =	sld [smem:$0x3FAC]  }
0x39: {  	_ = 	snop;
	(pc) =	sbr.ind lr, $3  }
0x3a: {  	_ = 	snop  }
0x3b: {  	_ = 	snop  }
0x3c: {  	p2 =	seq.s32 s10, $0x1;
	s10 =	sld [smem:$0x3FAB]  }
0x3d: {  	_ =	shalt  }
0x3e: {  	_ =	shalt  }
0x3f: {  	_ =	shalt  }
0x40: {  	_ =	shalt  }
0x41: {  	_ =	shalt  }
0x42: {  	_ =	shalt  }
0x43: {  	_ =	shalt  }
0x44: {  	_ =	shalt  }
0x45: {  	_ =	shalt  }
0x46: {  	_ =	shalt  }
0x47: {  	_ =	shalt  }
0x48: {  	_ =	shalt  }
0x49: {  	_ =	shalt  }
0x4a: {  	_ =	shalt  }
0x4b: {  	_ =	shalt  }
0x4c: {  	_ =	shalt  }
0x4d: {  	_ =	shalt  }
0x4e: {  	_ =	shalt  }
0x4f: {  	_ =	shalt  }
0x50: {  	_ =	shalt  }
0x51: {  	_ =	shalt  }
0x52: {  	_ =	shalt  }
0x53: {  	_ =	shalt  }
0x54: {  	_ =	shalt  }
0x55: {  	_ =	shalt  }
0x56: {  	_ =	shalt  }
0x57: {  	_ =	shalt  }
0x58: {  	_ =	shalt  }
0x59: {  	_ =	shalt  }
0x5a: {  	_ =	shalt  }
0x5b: {  	_ =	shalt  }
0x5c: {  	_ =	shalt  }
0x5d: {  	_ =	shalt  }
0x5e: {  	_ =	shalt  }
0x5f: {  	_ =	shalt  }
0x60: {  	_ =	shalt  }
0x61: {  	_ =	shalt  }
0x62: {  	_ =	shalt  }
0x63: {  	_ =	shalt  }
0x64: {  	_ =	shalt  }
0x65: {  	_ =	shalt  }
0x66: {  	_ =	shalt  }
0x67: {  	_ =	shalt  }
0x68: {  	_ =	shalt  }
0x69: {  	_ =	shalt  }
0x6a: {  	_ =	shalt  }
0x6b: {  	_ =	shalt  }
0x6c: {  	_ =	shalt  }
0x6d: {  	_ =	shalt  }
0x6e: {  	_ =	shalt  }
0x6f: {  	_ =	shalt  }
0x70: {  	_ =	shalt  }
0x71: {  	_ =	shalt  }
0x72: {  	_ =	shalt  }
0x73: {  	_ =	shalt  }
0x74: {  	_ =	shalt  }
0x75: {  	_ =	shalt  }
0x76: {  	_ =	shalt  }
0x77: {  	_ =	shalt  }
0x78: {  	_ =	shalt  }
0x79: {  	_ =	shalt  }
0x7a: {  	_ =	shalt  }
0x7b: {  	_ =	shalt  }
0x7c: {  	_ =	shalt  }
0x7d: {  	_ =	shalt  }
0x7e: {  	_ =	shalt  }
0x7f: {  	_ =	shalt  }
0x80: {  	_ =	shalt  }
0x81: {  	_ =	shalt  }
0x82: {  	_ =	shalt  }
0x83: {  	_ =	shalt  }
0x84: {  	_ =	shalt  }
0x85: {  	_ =	shalt  }
0x86: {  	_ =	shalt  }
0x87: {  	_ =	shalt  }
.Lfunc_end0:
.L_simem_size_0:
called_computation_lowered:
.L_overlay_start_0:
0x88: {  	s2 =	sld [smem:$0x3FD9]  }
0x89: {  	s3 =	sld [smem:$0x3FFE];
	_ =	sdelay $0x1  }
0x8a: {  	s1 =	srdreg.scid  }
0x8b: {  	s0 =	sand.u32 $0x1, s1  }
0x8c: {  	s16 =	sshll.u32 s0, $0xA;
	s2 =	sadd.s32 s3, s2  }
0x8d: {  	s2 =	sadd.s32 s2, s16  }
0x8e: {  	[smem:$0x3FB7] =	sst s2  }
0x8f: {  	_ = 	snop  }
0x90: {  	(tm) =	ssettm $0x1  }
0x91: {  	s17 =	sld [smem:$0x3FFB];
	_ =	sdelay $0x3  }
0x92: {  	_ =	strace s17  }
0x93: {  	s2 =	sld [smem:$0x3FFC];
	_ =	sdelay $0x3  }
0x94: {  	_ =	strace s2  }
0x95: {  	s2 =	sld [smem:$0x3FFD];
	_ =	sdelay $0x3  }
0x96: {  	_ =	strace s2  }
0x97: {  	_ =	strace $0x8FFFFFFF  }
0x98: {  	s18 =	sld [smem:$0x3FDB];
	_ =	sdelay $0x1  }
0x99: {  	s19 =	simm.s32 $_scs_section_size  }
0x9a: {  	s4 =	simm.s32 $_size__tile_overlayer_lowered;
	s5 =	simm.s32 $_tile_overlayer_lowered  }
0x9b: {  	s22 =	simm.s32 $0x1BFF;
	s21 =	sshll.u32 s5, $0x1;
	s2 =	sadd.s32 s19, s18  }
0x9c: {  	s6 =	simm.s32 $0x0;
	s20 =	sshll.u32 s4, $0x1;
	s4 =	sadd.s32 s21, s2  }
0x9d: {  	[timem:s6], [sflag:s22] =	dma.local [hbm:s4], s20  }
0x9e: {  	_ =	swait.ge [sflag:s22], s20  }
0x9f: {  	s3 =	ssub.s32 $0x0, s20;
	[sflag:s22] =	ssyncset.done $0x0  }
0xa0: {  	[sflag:s22] =	ssyncadd.s32 s3;
	_ =	sdelay $0x1  }
0xa1: {  	s23 =	simm.s32 $0x1B8B  }
0xa2: {  	_ =	swait.ge [sflag:s23], $0x1  }
0xa3: {  	[sflag:s23] =	ssyncset.done $0x0  }
0xa4: {  	s25 =	simm.s32 $0x1B8E;
	s24 =	sld [smem:$0x3FFE];
	[sflag:s23] =	ssyncadd.s32 $0xFFFFFFFF  }
0xa5: {  	s26 =	simm.s32 $execute0_lowered;
	[smem:$0x3FD2] =	sst s25  }
0xa6: {  	s4 =	sshll.u32 s26, $0x1;
	_ =	strace $0x80000046;
	[dreg:$0x1] =	wrdreg $0xFFFFFFFF  }
0xa7: {  	s28 =	simm.s32 $_size_execute0_lowered;
	s2 =	sadd.s32 s2, s4;
	[dreg:$0x0] =	wrdreg $0x0  }
0xa8: {  	s4 =	sshll.u32 s28, $0x1;
	[dreg:$0x2] =	wrdreg s2  }
0xa9: {  	[dreg:$0x3] =	wrdreg s4  }
0xaa: {  	[dreg:$0x4] =	wrdreg $0xC0  }
0xab: {  	_ =	task [dreg:s6], $0x5FFFF  }
0xac: {  	[dreg:$0x1] =	wrdreg $0xFFFFFFFF  }
0xad: {  	[dreg:$0x0] =	wrdreg $0x60  }
0xae: {  	[dreg:$0x2] =	wrdreg s24  }
0xaf: {  	[dreg:$0x3] =	wrdreg $0x9  }
0xb0: {  	_ =	task.clear_ibuf [dreg:s6], $0x4FFFF;
	_ =	strace $0x90000046  }
0xb1: {  	s29 =	simm.s32 $0x9;
	_ =	strace $0x80000048  }
0xb2: {  	_ =	swait.ge [sflag:s29], $0x1  }
0xb3: {  	[sflag:s29] =	ssyncadd.s32 $0xFFFFFFFF  }
0xb4: {  	_ =	strace $0x90000048  }
0xb5: {  	_ =	sfence  }
0xb6: {  	s30 =	sld [smem:$0x0];
	_ =	sdelay $0x2  }
0xb7: {  	s31 =	sshll.u32 s1, $0xD;
	s1 =	sshrl.u32 s1, $0x2  }
0xb8: {  	s3 =	sand.u32 $0x4000, s31;
	s1 =	sadd.s32 s1, s30  }
0xb9: {  	s0 =	sor.u32 s3, s0;
	s1 =	sshll.u32 s1, $0x11  }
0xba: {  	s0 =	sor.u32 s1, s0  }
0xbb: {  	s0 =	sadd.s32 $0x8F2B, s0  }
0xbc: {  	[sflag:s0] =	ssyncadd.remote.s32 $0x1  }
0xbd: {  	_ =	sfence.sel $0xFFFF  }
0xbe: {  	[dreg:$0x0] =	wrdreg $0xFFFFFFFF;
	(pc) =	sbr.abs _section_cstart, $3  }
0xbf: {  	[dreg:$0x1] =	wrdreg $0xFFFFFFFF  }
0xc0: {  	_ =	task.clear_ibuf [dreg:s6], $0x2FFFF;
	_ =	strace $0x9FFFFFFF  }
0xc1: {  	(tm) =	ssettm $0x7FFFFFFF  }
tec
execute0_lowered:
.L_overlay_start_1:
0x0: {  	(tag) =	ssettag $0x1  }
0x1: {  	s0 =	srdreg.scid  }
0x2: {  	s5 =	rddreg [dreg:$0x0];
	s2 =	simm.s32 $0x0;
	s6 =	simm.s32 $0x1  }
0x3: {  	s11 =	simm.s32 $0x2800;
	s12 =	simm.s32 $0x5000;
	s3 =	sand.u32 $0x1, s0  }
0x4: {  	s13 =	simm.s32 $0x7800;
	s0 =	stileid.u32;
	s1 =	sshll.u32 s3, $0x4  }
0x5: {  	s14 =	simm.s32 $0x7980;
	s28 =	sand.u32 $0x7, s0;
	s4 =	sor.u32 s0, s1  }
0x6: {  	s15 =	simm.s32 $0x7B00;
	p1 =	sne.s32 s28, $0x0;
	p0 =	seq.s32 s4, $0x0  }
0x7: {  	s16 =	simm.s32 $0x0;
	[smem:$0x7FF] =	sst s2;
	p0 =	por !p1, !p0  }
0x8: {  	s29 =	sadd.s32 $0x3600, s5;
	s3 =	ssub.s32 $0x2, s3;
	p0 =	por !p0, !p0  }
0x9: {  	s1 =	rddreg [dreg:$0x1];
	s7 =	sshrl.u32 s4, $0x3;
	s6 =	simm.s32 @!p0 $0x0  }
0xa: {  	s8 =	sshrl.u32 s3, $0x1;
	s4 =	smul.u32 $0x30, s4;
	s6 =	ssub.s32 s7, s6  }
0xb: {  	_ =	strace $0x80000047;
	s10 =	ssub.s32 s3, s8;
	s6 =	smul.u32 $0x7800, s6  }
.Ltmp0:
0xc: {  	s3 =	simm.s32 $0x1;
	s9 =	sadd.s32 s4, s5;
	(pc) =	sbr.rel .LBB2_1-.Ltmp0, $4  }
0xd: {  	s10 =	smax.u32 s10, $0x1;
	s8 =	sadd.s32 $0x7200, s9;
	s7 =	sadd.s32 $0x3000, s9  }
0xe: {  	s30 =	sshrl.u32 s6, $0x3;
	s31 =	sadd.s32 $0x2800, s6;
	s6 =	sadd.s32 $0x5000, s6  }
0xf: {  	v0 =	vimm.f32 $9.999999840e+17;
	v1 =	vlaneseq.u32;
	s9 =	sadd.s32 $0x7800, s9;
	s5 =	sshrl.u32 s31, $0x3;
	s6 =	sshrl.u32 s6, $0x3  }
0x10: {  	v2 =	vimm.s32 $0x0;
	v3 =	vimm.f32 $+Inf;
	v4 =	vimm.f32 $0.0e+00;
	s4 =	sadd.s32 s29, s30;
	s5 =	sadd.s32 s29, s5;
	s6 =	sadd.s32 s29, s6  }
.LBB2_43:
0x11: {  	[hbm4b:s8+s2] =	stream.linear.scatter [tilespmem:s14], [sflag:$0x1], $0x180, $0x38;
	[tilespmem:$0xAC80] =	vst v63  }
0x12: {  	s16 =	sadd.s32 $0x1, s16;
	_ =	swait.ge [sflag:s3], $0x180  }
0x13: {  	p0 =	sne.s32 s16, s10;
	[sflag:s3] =	ssyncset.done $0x0  }
.Ltmp1:
0x14: {  	[sflag:s3] =	ssyncadd.s32 $0xFFFFFE80;
	(pc) =	sbr.rel @!p0 .LBB2_44-.Ltmp1, $4  }
0x15: {  	[hbm4b:s9+s2] =	stream.linear.scatter [tilespmem:s15], [sflag:$0x1], $0x180, $0x38;
	[tilespmem:$0xAC80] =	vst v63  }
0x16: {  	_ =	swait.ge [sflag:s3], $0x180  }
0x17: {  	[sflag:s3] =	ssyncset.done $0x0  }
0x18: {  	[sflag:s3] =	ssyncadd.s32 $0xFFFFFE80  }
.LBB2_1:
0x19: {  	[tilespmem:s2], [sflag:$0x1] =	stream.linear.gather [hbm4b:s4+s2], $0x2800, $0x38;
	[tilespmem:$0xAC80] =	vst v63  }
0x1a: {  	_ =	swait.ge [sflag:s3], $0x2800  }
0x1b: {  	[sflag:s3] =	ssyncset.done $0x0  }
0x1c: {  	[sflag:s3] =	ssyncadd.s32 $0xFFFFD800  }
0x1d: {  	[tilespmem:s11], [sflag:$0x1] =	stream.linear.gather [hbm4b:s5+s2], $0x2800, $0x38;
	[tilespmem:$0xAC80] =	vst v63  }
0x1e: {  	_ =	swait.ge [sflag:s3], $0x2800  }
0x1f: {  	[sflag:s3] =	ssyncset.done $0x0  }
0x20: {  	[sflag:s3] =	ssyncadd.s32 $0xFFFFD800  }
0x21: {  	[tilespmem:s12], [sflag:$0x1] =	stream.linear.gather [hbm4b:s6+s2], $0x2800, $0x38;
	[tilespmem:$0xAC80] =	vst v63  }
0x22: {  	_ =	swait.ge [sflag:s3], $0x2800  }
0x23: {  	[sflag:s3] =	ssyncset.done $0x0  }
.Ltmp2:
0x24: {  	[sflag:s3] =	ssyncadd.s32 $0xFFFFD800;
	(pc) =	sbr.rel .LBB2_2-.Ltmp2, $4  }
0x25: {  	[tilespmem:s13], [sflag:$0x1] =	stream.linear.gather [hbm4b:s7+s2], $0x180, $0x38;
	[tilespmem:$0xAC80] =	vst v63  }
0x26: {  	_ =	swait.ge [sflag:s3], $0x180  }
0x27: {  	[sflag:s3] =	ssyncset.done $0x0  }
0x28: {  	s17 =	simm.s32 $0x0;
	[sflag:s3] =	ssyncadd.s32 $0xFFFFFE80  }
.LBB2_42:
0x29: {  	s17 =	sadd.s32 $0x1, s17  }
0x2a: {  	p0 =	sne.s32 s17, $0x8  }
.Ltmp3:
0x2b: {  	_ = 	snop;
	(pc) =	sbr.rel @!p0 .LBB2_43-.Ltmp3, $4  }
0x2c: {  	_ = 	snop  }
0x2d: {  	[tilespmem:s18+$0x7B00] =	vst v11  }
0x2e: {  	[tilespmem:s19+$0x7B00] =	vst v10  }
0x2f: {  	[tilespmem:s20+$0x7B00] =	vst v9  }
.LBB2_2:
0x30: {  	s18 =	smul.u32 $0x30, s17  }
.Ltmp4:
0x31: {  	_ = 	snop;
	(pc) =	sbr.rel .LBB2_3-.Ltmp4, $4  }
0x32: {  	_ = 	snop  }
0x33: {  	v9 =	vld [tilespmem:s18+$0x7800]  }
0x34: {  	s21 =	simm.s32 $0x30;
	s22 =	simm.s32 $0x20;
	s23 =	simm.s32 $0x2820;
	v10 =	vld [tilespmem:s18+$0x7810]  }
0x35: {  	v8 =	vimm.s32 $0x0;
	v6 =	vimm.f32 $+Inf;
	s24 =	simm.s32 $0x5020;
	v5 =	vimm.f32 $+Inf;
	s19 =	sadd.s32 $0x10, s18;
	s20 =	sadd.s32 $0x20, s18;
	v11 =	vld [tilespmem:s18+$0x7820]  }
.LBB2_5:
0x36: {  	s21 =	sadd.s32 $0x40, s21  }
0x37: {  	p0 =	sne.s32 s21, $0x2830  }
.Ltmp5:
0x38: {  	_ = 	snop;
	(pc) =	sbr.rel @!p0 .LBB2_6-.Ltmp5, $2  }
0x39: {  	_ =	sdelay $0x2  }
0x3a: {  	s22 =	sadd.s32 $0x40, s22;
	s23 =	sadd.s32 $0x40, s23;
	s24 =	sadd.s32 $0x40, s24  }
.LBB2_3:
0x3b: {  	v7 =	vld [tilespmem:s22+$0xFFFFFFF0]  }
0x3c: {  	v12 =	vld [tilespmem:s23+$0xFFFFFFF0]  }
0x3d: {  	v13 =	vld [tilespmem:s22+$0x0]  }
0x3e: {  	v14 =	vld [tilespmem:s23+$0x0]  }
0x3f: {  	v15 =	vld [tilespmem:s22+$0xFFFFFFE0]  }
0x40: {  	v18 =	vld [tilespmem:s22+$0x10]  }
0x41: {  	v17 =	vld [tilespmem:s24+$0xFFFFFFF0]  }
0x42: {  	v19 =	vld [tilespmem:s23+$0x10];
	v7 =	vsub.f32 v7, v9;
	v12 =	vsub.f32 v12, v10  }
0x43: {  	v16 =	vld [tilespmem:s23+$0xFFFFFFE0];
	v13 =	vsub.f32 v13, v9  }
0x44: {  	v20 =	vld [tilespmem:s24+$0x0];
	v14 =	vsub.f32 v14, v10;
	v7 =	vmul.f32 v7, v7;
	v12 =	vmul.f32 v12, v12  }
0x45: {  	v21 =	vld [tilespmem:s24+$0x10];
	v15 =	vsub.f32 v15, v9;
	v57 =	vsub.f32 v18, v9  }
0x46: {  	v13 =	vmul.f32 v13, v13;
	v14 =	vmul.f32 v14, v14;
	v7 =	vadd.f32 v12, v7;
	v12 =	vld [tilespmem:s24+$0xFFFFFFE0]  }
0x47: {  	v58 =	vsub.f32 v19, v10;
	v17 =	vsub.f32 v17, v11  }
0x48: {  	v14 =	vadd.f32 v14, v13;
	v13 =	vsub.f32 v16, v10  }
0x49: {  	v59 =	vsub.f32 v20, v11;
	v15 =	vmul.f32 v15, v15;
	v18 =	vmul.f32 v58, v58  }
0x4a: {  	v60 =	vsub.f32 v21, v11;
	v16 =	vmul.f32 v57, v57;
	v13 =	vmul.f32 v13, v13  }
0x4b: {  	v62 =	vmul.f32 v59, v59;
	v61 =	vsub.f32 v12, v11;
	v12 =	vmul.f32 v17, v17  }
0x4c: {  	v63 =	vmul.f32 v60, v60;
	v16 =	vadd.f32 v18, v16;
	v15 =	vadd.f32 v13, v15  }
0x4d: {  	v13 =	vadd.f32 v12, v7;
	v12 =	vadd.f32 v62, v14;
	v14 =	vmul.f32 v61, v61  }
0x4e: {  	v7 =	vadd.f32 v63, v16  }
0x4f: {  	v14 =	vadd.f32 v14, v15;
	vm0 =	vlt.f32 v13, v6;
	vm1 =	vlt.f32 v12, v6  }
0x50: {  	vm2 =	vlt.f32 v7, v6;
	vm1 =	vmor vm0, vm1  }
0x51: {  	vm0 =	vlt.f32 v14, v6;
	vm1 =	vmor vm1, vm2  }
0x52: {  	vm1 =	vmor vm0, vm1  }
0x53: {  	v15 =	vmpcnt.ones.xlane vm1;
	_ =	sdelay $0x1  }
0x54: {  	(v2sf) =	vpush v15, $0x0;
	_ =	sdelay $0xe  }
0x55: {  	s25 =	spop (v2sf)  }
0x56: {  	p0 =	slt.s32 s25, $0x1  }
.Ltmp6:
0x57: {  	_ = 	snop;
	(pc) =	sbr.rel @p0 .LBB2_5-.Ltmp6, $1  }
0x58: {  	_ =	sdelay $0x3  }
0x59: {  	v15 =	vmpcnt.ones.xlane vm0;
	_ =	sdelay $0x1  }
0x5a: {  	(v2sf) =	vpush v15, $0x0;
	_ =	sdelay $0xe  }
0x5b: {  	s25 =	spop (v2sf)  }
0x5c: {  	p1 =	slt.s32 s25, $0x1  }
0x5d: {  	s25 =	sadd.s32 $0xFFFFFFD0, s21;
	v15 =	vlaneseq.u32 @!p1  }
0x5e: {  	v16 =	vor.u32 @!p1 s25, v15  }
0x5f: {  	(xrf1) =	vsort.ascd.msk.f32 @!p1 $0xffff, v14, v16;
	_ =	sdelay $0x9  }
0x60: {  	v14 =	vmul.u32 @!p1 $0xFFFFFFFF, v15;
	_ =	sdelay $0x1  }
0x61: {  	v14 =	vadd.s32 @!p1 $0xF, v14  }
0x62: {  	v15 =	vperm.xlane @!p1 v5, v14  }
0x63: {  	v14 =	vperm.xlane @!p1 v8, v14;
	v16, v17, _ =	vpop @!p1 (xrf1)  }
0x64: {  	vm0 =	vlt.f32 @!p1 v16, v15  }
0x65: {  	v15 =	vsel @!p1 vm0, v16, v15;
	v14 =	vsel @!p1 vm0, v17, v14  }
0x66: {  	(xrf1) =	vsort.ascd.msk.f32 @!p1 $0xffff, v15, v14;
	_ =	sdelay $0xd  }
0x67: {  	v14, v15, _ =	vpop @!p1 (xrf1)  }
0x68: {  	v16 =	vbroadcast @!p1 v14, $0xF;
	_ =	sdelay $0x1  }
0x69: {  	v6 =	vpsel p1, v6, v16  }
0x6a: {  	vm13 =	vlt.f32 v13, v6  }
0x6b: {  	v61 =	vmpcnt.ones.xlane vm13;
	_ =	sdelay $0x1  }
0x6c: {  	(v2sf) =	vpush v61, $0x0;
	_ =	sdelay $0xe  }
0x6d: {  	s29 =	spop (v2sf)  }
0x6e: {  	p0 =	slt.s32 s29, $0x1  }
0x6f: {  	s25 =	sadd.s32 $0xFFFFFFE0, s21;
	v16 =	vlaneseq.u32 @!p0  }
0x70: {  	v17 =	vor.u32 @!p0 s25, v16  }
0x71: {  	(xrf1) =	vsort.ascd.msk.f32 @!p0 $0xffff, v13, v17;
	_ =	sdelay $0x9  }
0x72: {  	v13 =	vmul.u32 @!p0 $0xFFFFFFFF, v16;
	_ =	sdelay $0x1  }
0x73: {  	v5 =	vpsel p1, v5, v14;
	v13 =	vadd.s32 @!p0 $0xF, v13  }
0x74: {  	v8 =	vpsel p1, v8, v15;
	v14 =	vperm.xlane @!p0 v5, v13  }
0x75: {  	v13 =	vperm.xlane @!p0 v8, v13;
	v15, v16, _ =	vpop @!p0 (xrf1)  }
0x76: {  	vm0 =	vlt.f32 @!p0 v15, v14  }
0x77: {  	v14 =	vsel @!p0 vm0, v15, v14;
	v13 =	vsel @!p0 vm0, v16, v13  }
0x78: {  	(xrf1) =	vsort.ascd.msk.f32 @!p0 $0xffff, v14, v13;
	_ =	sdelay $0xd  }
0x79: {  	v13, v14, _ =	vpop @!p0 (xrf1)  }
0x7a: {  	v15 =	vbroadcast @!p0 v13, $0xF;
	_ =	sdelay $0x1  }
0x7b: {  	v6 =	vpsel p0, v6, v15  }
0x7c: {  	vm14 =	vlt.f32 v12, v6  }
0x7d: {  	v62 =	vmpcnt.ones.xlane vm14;
	_ =	sdelay $0x1  }
0x7e: {  	(v2sf) =	vpush v62, $0x0;
	_ =	sdelay $0xe  }
0x7f: {  	s30 =	spop (v2sf)  }
0x80: {  	p1 =	slt.s32 s30, $0x1  }
0x81: {  	s25 =	sadd.s32 $0xFFFFFFF0, s21;
	v15 =	vlaneseq.u32 @!p1  }
0x82: {  	v16 =	vor.u32 @!p1 s25, v15  }
0x83: {  	(xrf1) =	vsort.ascd.msk.f32 @!p1 $0xffff, v12, v16;
	_ =	sdelay $0x9  }
0x84: {  	v12 =	vmul.u32 @!p1 $0xFFFFFFFF, v15;
	_ =	sdelay $0x1  }
0x85: {  	v5 =	vpsel p0, v5, v13;
	v12 =	vadd.s32 @!p1 $0xF, v12  }
0x86: {  	v8 =	vpsel p0, v8, v14;
	v13 =	vperm.xlane @!p1 v5, v12  }
0x87: {  	v12 =	vperm.xlane @!p1 v8, v12;
	v14, v15, _ =	vpop @!p1 (xrf1)  }
0x88: {  	vm0 =	vlt.f32 @!p1 v14, v13  }
0x89: {  	v13 =	vsel @!p1 vm0, v14, v13;
	v12 =	vsel @!p1 vm0, v15, v12  }
0x8a: {  	(xrf1) =	vsort.ascd.msk.f32 @!p1 $0xffff, v13, v12;
	_ =	sdelay $0xd  }
0x8b: {  	v12, v13, _ =	vpop @!p1 (xrf1)  }
0x8c: {  	v14 =	vbroadcast @!p1 v12, $0xF;
	_ =	sdelay $0x1  }
0x8d: {  	v6 =	vpsel p1, v6, v14  }
0x8e: {  	vm15 =	vlt.f32 v7, v6  }
0x8f: {  	v63 =	vmpcnt.ones.xlane vm15;
	_ =	sdelay $0x1  }
0x90: {  	(v2sf) =	vpush v63, $0x0;
	_ =	sdelay $0xe  }
0x91: {  	s31 =	spop (v2sf)  }
0x92: {  	p0 =	slt.s32 s31, $0x1  }
0x93: {  	v14 =	vlaneseq.u32 @!p0  }
0x94: {  	v15 =	vor.u32 @!p0 s21, v14  }
0x95: {  	(xrf1) =	vsort.ascd.msk.f32 @!p0 $0xffff, v7, v15;
	_ =	sdelay $0x9  }
0x96: {  	v7 =	vmul.u32 @!p0 $0xFFFFFFFF, v14;
	_ =	sdelay $0x1  }
0x97: {  	v5 =	vpsel p1, v5, v12;
	v7 =	vadd.s32 @!p0 $0xF, v7  }
0x98: {  	v8 =	vpsel p1, v8, v13;
	v12 =	vperm.xlane @!p0 v5, v7  }
0x99: {  	v7 =	vperm.xlane @!p0 v8, v7;
	v13, v14, _ =	vpop @!p0 (xrf1)  }
0x9a: {  	vm0 =	vlt.f32 @!p0 v13, v12  }
0x9b: {  	v12 =	vsel @!p0 vm0, v13, v12;
	v7 =	vsel @!p0 vm0, v14, v7  }
0x9c: {  	(xrf1) =	vsort.ascd.msk.f32 @!p0 $0xffff, v12, v7;
	_ =	sdelay $0xc  }
.Ltmp7:
0x9d: {  	_ = 	snop;
	(pc) =	sbr.rel .LBB2_5-.Ltmp7, $3  }
0x9e: {  	v7, v12, _ =	vpop @!p0 (xrf1)  }
0x9f: {  	v13 =	vbroadcast @!p0 v7, $0xF;
	_ =	sdelay $0x1  }
0xa0: {  	v5 =	vpsel p0, v5, v7;
	v8 =	vpsel p0, v8, v12;
	v6 =	vpsel p0, v6, v13  }
.LBB2_6:
0xa1: {  	_ =	sdelay $0x2  }
0xa2: {  	s21 =	simm.s32 $0x0  }
0xa3: {  	v6 =	vld.idx.msk [tilespmem:v8+s21+$0x0], $0xffff  }
0xa4: {  	v7 =	vld.idx.msk [tilespmem:v8+s11+$0x0], $0xffff  }
0xa5: {  	v8 =	vld.idx.msk [tilespmem:v8+s12+$0x0], $0xffff;
	_ =	sdelay $0x2  }
0xa6: {  	v12 =	vsub.f32 v6, v9  }
0xa7: {  	v13 =	vsub.f32 v7, v10  }
0xa8: {  	v63 =	vsub.f32 v8, v11;
	[tilespmem:s18+$0x7980] =	vst v12  }
0xa9: {  	[tilespmem:s19+$0x7980] =	vst v13  }
0xaa: {  	s22 =	simm.s32 $0x0;
	s21 =	simm.s32 $0x40;
	[tilespmem:s20+$0x7980] =	vst v63  }
.LBB2_7:
0xab: {  	p0 =	sne.s32 s21, $0x3FC0;
	[tilespmem:s22+$0x9C80] =	vst v0;
	s23 =	smov.u32 s21;
	s21 =	sadd.s32 $0x40, s21  }
.Ltmp8:
0xac: {  	[tilespmem:s22+$0x7C80] =	vst v0;
	(pc) =	sbr.rel @p0 .LBB2_7-.Ltmp8, $2  }
0xad: {  	[tilespmem:s22+$0x8C80] =	vst v0;
	_ =	sdelay $0x2  }
0xae: {  	s22 =	sshra.s32 s23, $0x2  }
0xaf: {  	(v2sf) =	vpush v5, $0xF;
	_ =	sdelay $0x1  }
0xb0: {  	[tilespmem:s22+$0x9C80] =	vst v0  }
0xb1: {  	[tilespmem:s22+$0x7C80] =	vst v0  }
0xb2: {  	[tilespmem:s22+$0x8C80] =	vst v0;
	s21 =	simm.s32 $0x0  }
0xb3: {  	v14 =	vld [tilespmem:s21+$0x2800]  }
0xb4: {  	v15 =	vld [tilespmem:s21+$0x0];
	_ =	sdelay $0x1  }
0xb5: {  	v12 =	vld [tilespmem:s21+$0x5000];
	_ =	sdelay $0x2  }
0xb6: {  	v13 =	vsub.f32 v15, v9;
	v16 =	vsub.f32 v14, v10;
	_ =	sdelay $0x1  }
0xb7: {  	v17 =	vsub.f32 v12, v11;
	v13 =	vmul.f32 v13, v13;
	v16 =	vmul.f32 v16, v16;
	_ =	sdelay $0x1  }
0xb8: {  	v62 =	vmul.f32 v17, v17;
	v13 =	vadd.f32 v16, v13;
	s31 =	spop (v2sf)  }
0xb9: {  	s21 =	smul.f32 $5.000000000e+00, s31  }
0xba: {  	v16 =	vadd.f32 v62, v13  }
0xbb: {  	v13 =	vmov s21  }
0xbc: {  	vm0 =	vlt.f32 v16, v13  }
0xbd: {  	v63 =	vmpcnt.ones.xlane vm0;
	_ =	sdelay $0x1  }
0xbe: {  	(v2sf) =	vpush v63, $0x0;
	_ =	sdelay $0xe  }
0xbf: {  	p0 =	por $0x0, $0x0;
	s24 =	spop (v2sf)  }
0xc0: {  	p1 =	slt.s32 @!p0 s24, $0x1  }
0xc1: {  	p1 =	por p1, p0  }
0xc2: {  	s22 =	simm.s32 $0x0;
	vm0 =	vlt.f32 @!p1 v16, v13  }
0xc3: {  	[tilespmem:s22+$0x7C80] =	vst.msk @!p1 vm0, v15  }
0xc4: {  	s23 =	simm.s32 $0x40;
	s24 =	sadd.s32 $0x0, s24;
	[tilespmem:s22+$0x8C80] =	vst.msk @!p1 vm0, v14  }
.LBB2_9:
0xc5: {  	s25 =	sshra.s32 s23, $0x2;
	[tilespmem:s22+$0x9C80] =	vst.msk @!p1 vm0, v12;
	s22 =	smov.u32 s24  }
0xc6: {  	v14 =	vld [tilespmem:s25+$0x2800]  }
0xc7: {  	v15 =	vld [tilespmem:s25+$0x0]  }
0xc8: {  	s23 =	sadd.s32 $0x40, s23;
	v12 =	vld [tilespmem:s25+$0x5000]  }
0xc9: {  	p0 =	sne.s32 s23, $0xA000;
	_ =	sdelay $0x2  }
0xca: {  	v17 =	vsub.f32 v14, v10;
	v16 =	vsub.f32 v15, v9;
	_ =	sdelay $0x1  }
0xcb: {  	v18 =	vsub.f32 v12, v11;
	v17 =	vmul.f32 v17, v17;
	v16 =	vmul.f32 v16, v16;
	_ =	sdelay $0x1  }
0xcc: {  	v16 =	vadd.f32 v17, v16;
	v17 =	vmul.f32 v18, v18;
	_ =	sdelay $0x1  }
0xcd: {  	v16 =	vadd.f32 v17, v16;
	_ =	sdelay $0x1  }
0xce: {  	vm0 =	vlt.f32 v16, v13  }
0xcf: {  	v17 =	vmpcnt.ones.xlane vm0;
	_ =	sdelay $0x1  }
0xd0: {  	(v2sf) =	vpush v17, $0x0;
	_ =	sdelay $0xe  }
0xd1: {  	p1 =	sgt.s32 s24, $0xFF0;
	s25 =	spop (v2sf)  }
.Ltmp9:
0xd2: {  	p2 =	slt.s32 @!p1 s25, $0x1;
	s24 =	sadd.s32 s24, s25;
	(pc) =	sbr.rel @p0 .LBB2_9-.Ltmp9, $4  }
0xd3: {  	p1 =	por p2, p1  }
0xd4: {  	vm0 =	vlt.f32 @!p1 v16, v13  }
0xd5: {  	[tilespmem:s22+$0x7C80] =	vst.msk @!p1 vm0, v15  }
0xd6: {  	[tilespmem:s22+$0x8C80] =	vst.msk @!p1 vm0, v14  }
0xd7: {  	s23 =	sadd.s32 $0xF, s24  }
0xd8: {  	s25 =	sand.u32 $0xF, s23  }
0xd9: {  	s31 =	sshra.s32 s23, $0x1F;
	p2 =	slt.s32 s23, $0x1;
	p0 =	sne.s32 s25, $0x0  }
0xda: {  	s25 =	sshrl.u32 s31, $0x1C;
	p0 =	por !p2, !p0  }
0xdb: {  	s23 =	sadd.s32 s25, s23;
	s25 =	simm.s32 $0x1;
	p0 =	por !p0, !p0  }
.Ltmp10:
0xdc: {  	s23 =	sshra.s32 s23, $0x4;
	s25 =	simm.s32 @!p0 $0x0;
	(pc) =	sbr.rel .LBB2_11-.Ltmp10, $4  }
0xdd: {  	s23 =	ssub.s32 s23, s25  }
0xde: {  	p2 =	sgt.s32 s23, $0x1  }
0xdf: {  	p0 =	slt.s32 s23, $0x1;
	s23 =	simm.s32 @!p2 $0x1  }
0xe0: {  	[tilespmem:s22+$0x9C80] =	vst.msk @!p1 vm0, v12;
	v9 =	vimm.f32 $0.0e+00;
	p1 =	sgt.s32 s24, $0xFF0;
	v10 =	vimm.f32 $0.0e+00;
	v11 =	vimm.f32 $0.0e+00;
	s22 =	smin.u32 s23, $0x100;
	s23 =	simm.s32 $0x0  }
.LBB2_28:
0xe1: {  	_ =	sdelay $0x3  }
0xe2: {  	v16 =	vld.idx.msk [tilespmem:v15+s2+$0x0], $0xffff  }
0xe3: {  	v17 =	vld.idx.msk [tilespmem:v15+s11+$0x0], $0xffff  }
0xe4: {  	v15 =	vld.idx.msk [tilespmem:v15+s12+$0x0], $0xffff;
	_ =	sdelay $0x1  }
0xe5: {  	vm1 =	vmmov $0xff  }
0xe6: {  	v16 =	vnsel vm1, $0x0, v16  }
0xe7: {  	(xrf2) =	vadd.scan.msk.f32 $0xffff, v16;
	v16 =	vnsel vm1, $0x0, v17  }
0xe8: {  	v15 =	vnsel vm1, $0x0, v15;
	(xrf2) =	vadd.scan.msk.f32 $0xffff, v16  }
0xe9: {  	(xrf2) =	vadd.scan.msk.f32 $0xffff, v15;
	_ =	sdelay $0x7  }
0xea: {  	v15, _, _ =	vpop (xrf2)  }
0xeb: {  	v16, _, _ =	vpop (xrf2);
	(v2sf) =	vpush v15, $0xF  }
0xec: {  	(v2sf) =	vpush v16, $0xF;
	v15, _, _ =	vpop (xrf2)  }
0xed: {  	(v2sf) =	vpush v15, $0xF;
	_ =	sdelay $0xc  }
0xee: {  	s24 =	spop (v2sf)  }
0xef: {  	s25 =	spop (v2sf);
	s24 =	smul.f32 $1.250000000e-01, s24  }
0xf0: {  	s25 =	smul.f32 $1.250000000e-01, s25;
	s26 =	spop (v2sf)  }
0xf1: {  	s26 =	smul.f32 $1.250000000e-01, s26;
	_ =	sdelay $0x1  }
0xf2: {  	v15 =	vmov s24;
	v16 =	vmov s25;
	v17 =	vmov s26  }
.LBB2_41:
0xf3: {  	s23 =	sadd.s32 $0x1, s23  }
0xf4: {  	p2 =	sne.s32 s23, $0x10  }
.Ltmp11:
0xf5: {  	_ = 	snop;
	(pc) =	sbr.rel @!p2 .LBB2_42-.Ltmp11, $3  }
0xf6: {  	v12 =	vsub.f32 v12, v15  }
0xf7: {  	v13 =	vsub.f32 v13, v16;
	v14 =	vsub.f32 v14, v17;
	_ =	sdelay $0x1  }
0xf8: {  	v11 =	vsel vm0, v12, v11;
	v10 =	vsel vm0, v13, v10;
	v9 =	vsel vm0, v14, v9  }
.LBB2_11:
0xf9: {  	v12 =	vmov s23  }
0xfa: {  	vm0 =	veq.s32 v12, v1  }
0xfb: {  	v12 =	vnsel vm0, $0x0, v6  }
0xfc: {  	(xrf2) =	vadd.scan.msk.f32 $0xffff, v12;
	v12 =	vnsel vm0, $0x0, v7  }
0xfd: {  	(xrf2) =	vadd.scan.msk.f32 $0xffff, v12;
	v12 =	vnsel vm0, $0x0, v8  }
0xfe: {  	(xrf2) =	vadd.scan.msk.f32 $0xffff, v12;
	v12 =	vnsel vm0, $0x0, v5  }
0xff: {  	(xrf2) =	vadd.scan.msk.f32 $0xffff, v12;
	_ =	sdelay $0x6  }
0x100: {  	v12, _, _ =	vpop (xrf2)  }
0x101: {  	v13, _, _ =	vpop (xrf2)  }
0x102: {  	v14, _, _ =	vpop (xrf2)  }
0x103: {  	v15, _, _ =	vpop (xrf2)  }
0x104: {  	(v2sf) =	vpush v15, $0xF;
	_ =	sdelay $0xa  }
.Ltmp12:
0x105: {  	_ = 	snop;
	(pc) =	sbr.rel @p0 .LBB2_12-.Ltmp12, $3  }
0x106: {  	_ =	sdelay $0x1  }
0x107: {  	v12 =	vbroadcast v12, $0xF  }
0x108: {  	v13 =	vbroadcast v13, $0xF;
	v14 =	vbroadcast v14, $0xF;
	v15 =	vimm.f32 $+Inf;
	s24 =	spop (v2sf)  }
0x109: {  	p5 =	sne.s32 s22, $0x1  }
.Ltmp13:
0x10a: {  	_ = 	snop;
	(pc) =	sbr.rel @!p5 .LBB2_14-.Ltmp13, $4  }
0x10b: {  	s25 =	simm.s32 $0x9C80  }
0x10c: {  	s26 =	simm.s32 $0x7C80;
	v16 =	vld [tilespmem:s25+$0x0]  }
0x10d: {  	s28 =	simm.s32 $0x8C80;
	p2 =	por $0x0, $0x0;
	v20 =	vld [tilespmem:s26+$0x0]  }
0x10e: {  	p3 =	por $0x0, $0x0;
	p4 =	por $0x0, $0x0;
	s25 =	sadd.s32 $0xFFFFFFFF, s22;
	v21 =	vld [tilespmem:s28+$0x0]  }
0x10f: {  	_ = 	snop  }
0x110: {  	p5 =	sne.s32 s25, $0x1  }
.Ltmp14:
0x111: {  	_ = 	snop;
	(pc) =	sbr.rel @!p5 .LBB2_16-.Ltmp14, $4  }
0x112: {  	s26 =	simm.s32 $0x9C90;
	v17 =	vsub.f32 v16, v14  }
0x113: {  	s30 =	simm.s32 $0x7C90;
	v16 =	vld [tilespmem:s26+$0x0];
	v18 =	vsub.f32 v20, v12;
	v19 =	vsub.f32 v21, v13  }
0x114: {  	s31 =	simm.s32 $0x8C90;
	v20 =	vld [tilespmem:s30+$0x0];
	v38 =	vmul.f32 v17, v17  }
0x115: {  	s25 =	sadd.s32 $0xFFFFFFFF, s25;
	p2 =	por $0x1, $0x1;
	v21 =	vld [tilespmem:s31+$0x0];
	v28 =	vmul.f32 v18, v18;
	v39 =	vmul.f32 v19, v19  }
0x116: {  	_ = 	snop  }
0x117: {  	v17 =	vadd.f32 v39, v28;
	_ =	sdelay $0x1  }
0x118: {  	p5 =	sne.s32 s25, $0x1;
	v17 =	vadd.f32 v38, v17  }
.Ltmp15:
0x119: {  	_ = 	snop;
	(pc) =	sbr.rel @!p5 .LBB2_18-.Ltmp15, $4  }
0x11a: {  	s26 =	simm.s32 $0x9CA0;
	v20 =	vsub.f32 v20, v12;
	v18 =	vmax.f32 v17, v15  }
0x11b: {  	s30 =	simm.s32 $0x7CA0;
	v23 =	vsub.f32 v16, v14;
	v16 =	vld [tilespmem:s26+$0x0];
	v21 =	vsub.f32 v21, v13;
	v19 =	vmax.f32 v18, v15  }
0x11c: {  	s31 =	simm.s32 $0x8CA0;
	v28 =	vmul.f32 v20, v20;
	v20 =	vld [tilespmem:s30+$0x0];
	v22 =	vmax.f32 v19, v15  }
0x11d: {  	s29 =	sadd.s32 $0xFFFFFFFF, s25;
	p3 =	por $0x1, $0x1;
	v38 =	vmul.f32 v23, v23;
	v39 =	vmul.f32 v21, v21;
	v21 =	vld [tilespmem:s31+$0x0];
	v23 =	vmax.f32 v22, v15  }
0x11e: {  	_ = 	snop  }
0x11f: {  	v29 =	vmax.f32 v23, v15;
	v24 =	vadd.f32 v39, v28  }
0x120: {  	v25 =	vmin.f32 v17, v15;
	v33 =	vmin.f32 v18, v15;
	v36 =	vmin.f32 v19, v15  }
0x121: {  	v41 =	vmin.f32 v22, v15;
	p5 =	sne.s32 s29, $0x1;
	v30 =	vmax.f32 v29, v15;
	v32 =	vadd.f32 v38, v24  }
.Ltmp16:
0x122: {  	v35 =	vimm.f32 $+Inf;
	v27 =	vsub.f32 v16, v14;
	v16 =	vmax.f32 v30, v15;
	(pc) =	sbr.rel @!p5 .LBB2_20-.Ltmp16, $4  }
0x123: {  	s25 =	simm.s32 $0x9CB0;
	v20 =	vsub.f32 v20, v12;
	v21 =	vsub.f32 v21, v13;
	v31 =	vmax.f32 v32, v25  }
0x124: {  	s26 =	simm.s32 $0x7CB0;
	v37 =	vimm.f32 $+Inf;
	v26 =	vmin.f32 v16, v15;
	v16 =	vld [tilespmem:s25+$0x0];
	v34 =	vmax.f32 v31, v33  }
0x125: {  	s28 =	simm.s32 $0x8CB0;
	v28 =	vmul.f32 v20, v20;
	v20 =	vld [tilespmem:s26+$0x0];
	v39 =	vmul.f32 v21, v21;
	v40 =	vmax.f32 v34, v36  }
0x126: {  	s29 =	sadd.s32 $0xFFFFFFFF, s29;
	p4 =	por $0x1, $0x1;
	v24 =	vmin.f32 v23, v15;
	v38 =	vmul.f32 v27, v27;
	v21 =	vld [tilespmem:s28+$0x0];
	v27 =	vmax.f32 v40, v41  }
.LBB2_21:
0x127: {  	p5 =	sne.s32 s29, $0x1;
	v28 =	vadd.f32 v39, v28;
	v35 =	vmin.f32 v29, v35;
	v29 =	vmax.f32 v27, v24  }
0x128: {  	v37 =	vmin.f32 v30, v37;
	v30 =	vmax.f32 v29, v35  }
0x129: {  	v42 =	vsub.f32 v16, v14;
	v16 =	vadd.f32 v38, v28;
	v28 =	vmax.f32 v30, v37  }
.Ltmp17:
0x12a: {  	v25 =	vmin.f32 v32, v25;
	v20 =	vsub.f32 v20, v12;
	v26 =	vmin.f32 v28, v26;
	(pc) =	sbr.rel @p5 .LBB2_21-.Ltmp17, $4  }
0x12b: {  	s25 =	sadd.s32 $0x10, s25;
	v33 =	vmin.f32 v31, v33;
	v21 =	vsub.f32 v21, v13;
	v31 =	vmax.f32 v16, v25;
	v32 =	vmovc v16  }
0x12c: {  	s26 =	sadd.s32 $0x10, s26;
	v36 =	vmin.f32 v34, v36;
	v16 =	vld [tilespmem:s25+$0x0];
	v28 =	vmul.f32 v20, v20;
	v34 =	vmax.f32 v31, v33  }
0x12d: {  	s28 =	sadd.s32 $0x10, s28;
	v41 =	vmin.f32 v40, v41;
	v20 =	vld [tilespmem:s26+$0x0];
	v39 =	vmul.f32 v21, v21;
	v40 =	vmax.f32 v34, v36  }
0x12e: {  	s29 =	sadd.s32 $0xFFFFFFFF, s29;
	v24 =	vmin.f32 v27, v24;
	v38 =	vmul.f32 v42, v42;
	v21 =	vld [tilespmem:s28+$0x0];
	v27 =	vmax.f32 v40, v41  }
.LBB2_22:
0x12f: {  	v28 =	vadd.f32 @p2 v39, v28;
	v29 =	vmin.f32 @p4 v29, v35  }
0x130: {  	v35 =	vmax.f32 @p3 v27, v24;
	v30 =	vmin.f32 @p4 v30, v37;
	v25 =	vmin.f32 @p3 v32, v25  }
0x131: {  	v31 =	vmin.f32 @p3 v31, v33;
	v33 =	vmin.f32 @p3 v34, v36;
	v36 =	vmin.f32 @p3 v40, v41  }
0x132: {  	v24 =	vmin.f32 @p3 v27, v24;
	v29 =	vpsel p4, v29, v15;
	v30 =	vpsel p4, v30, v15  }
0x133: {  	v25 =	vpsel p3, v25, v15;
	v31 =	vpsel p3, v31, v15;
	v33 =	vpsel p3, v33, v15  }
0x134: {  	v36 =	vpsel p3, v36, v15;
	v24 =	vpsel p3, v24, v15;
	v37 =	vmax.f32 @p3 v35, v29  }
0x135: {  	v16 =	vsub.f32 v16, v14;
	v28 =	vadd.f32 @p2 v38, v28;
	v38 =	vmax.f32 @p3 v37, v30  }
0x136: {  	v20 =	vsub.f32 v20, v12;
	v26 =	vmin.f32 @p3 v38, v26;
	v21 =	vsub.f32 v21, v13  }
0x137: {  	v32 =	vmax.f32 @p2 v28, v25;
	v27 =	vmovc @p2 v28;
	v16 =	vmul.f32 v16, v16;
	v28 =	vpsel p3, v35, v0  }
0x138: {  	v35 =	vpsel p3, v37, v0;
	v34 =	vmax.f32 @p2 v32, v31;
	v20 =	vmul.f32 v20, v20  }
0x139: {  	v17 =	vpsel p2, v27, v17;
	v26 =	vpsel p3, v26, v15;
	v18 =	vpsel p2, v32, v18  }
0x13a: {  	v27 =	vmin.f32 @p3 v28, v29;
	v29 =	vmin.f32 @p3 v35, v30;
	v38 =	vmax.f32 @p2 v34, v33  }
0x13b: {  	v21 =	vmul.f32 v21, v21;
	v27 =	vpsel p3, v27, v15;
	v19 =	vpsel p2, v34, v19  }
0x13c: {  	v17 =	vmin.f32 @p2 v17, v25;
	v18 =	vmin.f32 @p2 v18, v31;
	v39 =	vmax.f32 @p2 v38, v36  }
0x13d: {  	v22 =	vpsel p2, v38, v22;
	v17 =	vpsel p2, v17, v15;
	v20 =	vadd.f32 v21, v20  }
0x13e: {  	v18 =	vpsel p2, v18, v15;
	v19 =	vmin.f32 @p2 v19, v33;
	v23 =	vpsel p2, v39, v23  }
0x13f: {  	v19 =	vpsel p2, v19, v15;
	v22 =	vmin.f32 @p2 v22, v36;
	v16 =	vadd.f32 v16, v20  }
0x140: {  	v21 =	vmax.f32 @p2 v23, v24;
	v59 =	vpsel p2, v22, v15;
	v22 =	vmin.f32 @p2 v23, v24  }
0x141: {  	v28 =	vmax.f32 @p2 v21, v27;
	v20 =	vpsel p3, v29, v15;
	v56 =	vmax.f32 v16, v17  }
0x142: {  	v21 =	vpsel p2, v21, v0;
	v23 =	vpsel p2, v22, v15;
	v57 =	vmax.f32 v56, v18  }
0x143: {  	v30 =	vmax.f32 @p2 v28, v20;
	v21 =	vmin.f32 @p2 v21, v27;
	v58 =	vmax.f32 v57, v19  }
0x144: {  	v22 =	vpsel p2, v28, v0;
	v27 =	vpsel p2, v21, v15;
	v60 =	vmax.f32 v58, v59  }
.Ltmp18:
0x145: {  	v20 =	vmin.f32 @p2 v22, v20;
	v21 =	vmin.f32 @p2 v30, v26;
	v61 =	vmax.f32 v60, v23;
	(pc) =	sbr.rel .LBB2_23-.Ltmp18, $4  }
0x146: {  	v63 =	vpsel p2, v20, v15;
	v20 =	vpsel p2, v21, v15;
	v62 =	vmax.f32 v61, v27  }
0x147: {  	v15 =	vmin.f32 v16, v17;
	v22 =	vmin.f32 v56, v18;
	v21 =	vmax.f32 v62, v63  }
0x148: {  	v18 =	vmin.f32 v61, v27;
	v17 =	vmin.f32 v62, v63;
	v16 =	vmin.f32 v21, v20  }
0x149: {  	v21 =	vmin.f32 v57, v19;
	v20 =	vmin.f32 v58, v59;
	v19 =	vmin.f32 v60, v23  }
.LBB2_12:
0x14a: {  	v22 =	vimm.f32 $+Inf  }
0x14b: {  	v21 =	vimm.f32 $+Inf;
	v20 =	vimm.f32 $+Inf;
	v19 =	vimm.f32 $+Inf  }
0x14c: {  	v18 =	vimm.f32 $+Inf;
	v17 =	vimm.f32 $+Inf;
	v16 =	vimm.f32 $+Inf  }
.LBB2_23:
0x14d: {  	(xrf1) =	vsort.ascd.msk.f32 $0xffff, v15, v15  }
0x14e: {  	(xrf1) =	vsort.ascd.msk.f32 $0xffff, v22, v22;
	_ =	sdelay $0xb  }
0x14f: {  	v15 =	vmul.u32 $0xFFFFFFFF, v1  }
0x150: {  	v58, _, _ =	vpop (xrf1)  }
0x151: {  	v15 =	vadd.s32 $0xF, v15;
	v23, _, _ =	vpop (xrf1)  }
0x152: {  	v23 =	vperm.xlane v23, v15;
	_ =	sdelay $0x1  }
0x153: {  	v22 =	vmin.f32 v58, v23  }
0x154: {  	(xrf1) =	vsort.ascd.msk.f32 $0xffff, v22, v22  }
0x155: {  	(xrf1) =	vsort.ascd.msk.f32 $0xffff, v21, v21;
	_ =	sdelay $0xc  }
0x156: {  	v59, _, _ =	vpop (xrf1)  }
0x157: {  	v60, _, _ =	vpop (xrf1)  }
0x158: {  	v22 =	vperm.xlane v60, v15;
	_ =	sdelay $0x1  }
0x159: {  	v21 =	vmin.f32 v59, v22  }
0x15a: {  	(xrf1) =	vsort.ascd.msk.f32 $0xffff, v21, v21  }
0x15b: {  	(xrf1) =	vsort.ascd.msk.f32 $0xffff, v20, v20;
	_ =	sdelay $0xc  }
0x15c: {  	v61, _, _ =	vpop (xrf1)  }
0x15d: {  	v62, _, _ =	vpop (xrf1)  }
0x15e: {  	v21 =	vperm.xlane v62, v15;
	_ =	sdelay $0x1  }
0x15f: {  	v20 =	vmin.f32 v61, v21  }
0x160: {  	(xrf1) =	vsort.ascd.msk.f32 $0xffff, v20, v20  }
0x161: {  	(xrf1) =	vsort.ascd.msk.f32 $0xffff, v19, v19;
	_ =	sdelay $0xc  }
0x162: {  	v19, _, _ =	vpop (xrf1)  }
0x163: {  	v63, _, _ =	vpop (xrf1)  }
0x164: {  	v20 =	vperm.xlane v63, v15;
	_ =	sdelay $0x1  }
0x165: {  	v19 =	vmin.f32 v19, v20  }
0x166: {  	(xrf1) =	vsort.ascd.msk.f32 $0xffff, v19, v19  }
0x167: {  	(xrf1) =	vsort.ascd.msk.f32 $0xffff, v18, v18;
	_ =	sdelay $0xc  }
0x168: {  	v18, _, _ =	vpop (xrf1)  }
0x169: {  	v19, _, _ =	vpop (xrf1)  }
0x16a: {  	v19 =	vperm.xlane v19, v15;
	_ =	sdelay $0x1  }
0x16b: {  	v18 =	vmin.f32 v18, v19  }
0x16c: {  	(xrf1) =	vsort.ascd.msk.f32 $0xffff, v18, v18  }
0x16d: {  	(xrf1) =	vsort.ascd.msk.f32 $0xffff, v17, v17;
	_ =	sdelay $0xc  }
0x16e: {  	v17, _, _ =	vpop (xrf1)  }
0x16f: {  	v18, _, _ =	vpop (xrf1)  }
0x170: {  	v18 =	vperm.xlane v18, v15;
	_ =	sdelay $0x1  }
0x171: {  	v17 =	vmin.f32 v17, v18  }
0x172: {  	(xrf1) =	vsort.ascd.msk.f32 $0xffff, v17, v17  }
0x173: {  	(xrf1) =	vsort.ascd.msk.f32 $0xffff, v16, v16;
	_ =	sdelay $0xc  }
0x174: {  	v16, _, _ =	vpop (xrf1)  }
0x175: {  	v17, _, _ =	vpop (xrf1)  }
0x176: {  	v15 =	vperm.xlane v17, v15;
	_ =	sdelay $0x1  }
0x177: {  	v15 =	vmin.f32 v16, v15  }
0x178: {  	(xrf1) =	vsort.ascd.msk.f32 $0xffff, v15, v15;
	_ =	sdelay $0xd  }
0x179: {  	v16, _, _ =	vpop (xrf1)  }
0x17a: {  	(v2sf) =	vpush v16, $0x7;
	_ =	sdelay $0xe  }
0x17b: {  	s25 =	spop (v2sf)  }
0x17c: {  	s24 =	sadd.f32 s25, s24;
	_ =	sdelay $0x1  }
0x17d: {  	s24 =	sadd.f32 s24, s24;
	_ =	sdelay $0x1  }
0x17e: {  	p2 =	sle.f32 @!p1 s24, s21;
	_ =	sdelay $0x1  }
0x17f: {  	p2 =	por p1, !p2  }
.Ltmp19:
0x180: {  	_ = 	snop;
	(pc) =	sbr.rel @p2 .LBB2_24-.Ltmp19, $1  }
0x181: {  	_ =	sdelay $0x3  }
.Ltmp20:
0x182: {  	(pc) =	sbr.rel @p0 .LBB2_30-.Ltmp20, $2  }
0x183: {  	_ =	sdelay $0x2  }
0x184: {  	v15 =	vimm.f32 $0.0e+00  }
0x185: {  	s25 =	simm.s32 $0x7C80  }
0x186: {  	s26 =	simm.s32 $0x8C80;
	p4 =	sne.s32 s22, $0x1;
	v17 =	vld [tilespmem:s25+$0x0]  }
.Ltmp21:
0x187: {  	v18 =	vld [tilespmem:s26+$0x0];
	(pc) =	sbr.rel @!p4 .LBB2_32-.Ltmp21, $3  }
0x188: {  	_ =	sdelay $0x1  }
0x189: {  	s24 =	simm.s32 $0x9C80  }
0x18a: {  	v16 =	vbroadcast v16, $0x7;
	p2 =	por $0x0, $0x0;
	p3 =	por $0x0, $0x0;
	s25 =	sadd.s32 $0xFFFFFFFF, s22  }
0x18b: {  	v19 =	vld [tilespmem:s24+$0x0];
	s30 =	simm.s32 $0x7C90  }
0x18c: {  	p4 =	sne.s32 s25, $0x1;
	s31 =	simm.s32 $0x8C90;
	v23 =	vld [tilespmem:s30+$0x0]  }
.Ltmp22:
0x18d: {  	v25 =	vld [tilespmem:s31+$0x0];
	(pc) =	sbr.rel @!p4 .LBB2_34-.Ltmp22, $3  }
0x18e: {  	_ = 	snop  }
0x18f: {  	v20 =	vsub.f32 v17, v12;
	v24 =	vsub.f32 v18, v13;
	_ =	sdelay $0x1  }
0x190: {  	s28 =	sadd.s32 $0xFFFFFFFF, s25;
	s24 =	simm.s32 $0x9C90;
	p2 =	por $0x1, $0x1;
	v22 =	vmul.f32 v20, v20;
	v24 =	vmul.f32 v24, v24;
	v21 =	vsub.f32 v19, v14  }
0x191: {  	_ = 	snop  }
0x192: {  	v32 =	vld [tilespmem:s24+$0x0];
	p4 =	sne.s32 s28, $0x1;
	v20 =	vadd.f32 v24, v22;
	v21 =	vmul.f32 v21, v21  }
.Ltmp23:
0x193: {  	v22 =	vsub.f32 v23, v12;
	(pc) =	sbr.rel @!p4 .LBB2_36-.Ltmp23, $4  }
0x194: {  	v24 =	vsub.f32 v25, v13;
	v20 =	vadd.f32 v21, v20  }
0x195: {  	s25 =	simm.s32 $0x7CA0;
	v26 =	vimm.f32 $0.0e+00;
	v27 =	vimm.f32 $0.0e+00;
	v28 =	vimm.f32 $0.0e+00  }
0x196: {  	s26 =	simm.s32 $0x8CA0;
	v30 =	vld [tilespmem:s25+$0x0];
	v22 =	vmul.f32 v22, v22;
	v24 =	vmul.f32 v24, v24;
	vm1 =	vle.f32 v20, v16  }
0x197: {  	s28 =	sadd.s32 $0xFFFFFFFF, s28;
	s24 =	simm.s32 $0x9CA0;
	p3 =	por $0x1, $0x1;
	v31 =	vld [tilespmem:s26+$0x0];
	v21 =	vsub.f32 v32, v14;
	v20 =	vimm.f32 $0.0e+00;
	v29 =	vsel vm1, $0x3F800000, v4  }
.LBB2_37:
0x198: {  	p4 =	sne.s32 s28, $0x1;
	v33 =	vld [tilespmem:s24+$0x0];
	v34 =	vnsel vm1, $0x0, v17;
	v35 =	vnsel vm1, $0x0, v18;
	v20 =	vadd.f32 v29, v20;
	v17 =	vmovc v23;
	v18 =	vmovc v25  }
0x199: {  	v21 =	vmul.f32 v21, v21;
	v22 =	vadd.f32 v24, v22;
	v24 =	vnsel vm1, $0x0, v19;
	v19 =	vmovc v32  }
.Ltmp24:
0x19a: {  	v26 =	vadd.f32 v34, v26;
	v27 =	vadd.f32 v35, v27;
	(pc) =	sbr.rel @p4 .LBB2_37-.Ltmp24, $4  }
0x19b: {  	v28 =	vadd.f32 v24, v28;
	v22 =	vadd.f32 v21, v22;
	v23 =	vmov v30  }
0x19c: {  	s25 =	sadd.s32 $0x10, s25;
	v24 =	vsub.f32 v23, v12;
	v29 =	vsub.f32 v31, v13;
	v25 =	vmov v31  }
0x19d: {  	s26 =	sadd.s32 $0x10, s26;
	v30 =	vld [tilespmem:s25+$0x0];
	v21 =	vsub.f32 v33, v14;
	vm1 =	vle.f32 v22, v16;
	v32 =	vmov v33  }
0x19e: {  	s28 =	sadd.s32 $0xFFFFFFFF, s28;
	s24 =	sadd.s32 $0x10, s24;
	v31 =	vld [tilespmem:s26+$0x0];
	v22 =	vmul.f32 v24, v24;
	v24 =	vmul.f32 v29, v29;
	v29 =	vsel vm1, $0x3F800000, v4  }
0x19f: {  	_ =	sdelay $0x2  }
0x1a0: {  	v35 =	vmov v17;
	v36 =	vmov v18;
	v37 =	vmov v19  }
0x1a1: {  	v33 =	vmovc v23;
	v34 =	vmovc v25;
	v19 =	vmov v32;
	v17 =	vmov v30;
	v18 =	vmov v31  }
.LBB2_39:
0x1a2: {  	v25 =	vnsel @p3 vm1, $0x0, v35;
	v30 =	vnsel @p3 vm1, $0x0, v36  }
0x1a3: {  	v23 =	vld [tilespmem:s24+$0x0];
	v20 =	vadd.f32 @p3 v29, v20;
	v22 =	vadd.f32 @p2 v24, v22;
	v21 =	vmul.f32 @p2 v21, v21  }
0x1a4: {  	v56 =	vsub.f32 v17, v12;
	v57 =	vsub.f32 v18, v13;
	v19 =	vpsel p2, v19, v0  }
0x1a5: {  	v29 =	vmovc @p2 v34;
	v24 =	vadd.f32 @p3 v25, v26;
	v25 =	vadd.f32 @p3 v30, v27;
	v26 =	vnsel @p3 vm1, $0x0, v37  }
0x1a6: {  	v29 =	vpsel p2, v29, v0;
	v21 =	vadd.f32 @p2 v21, v22;
	v26 =	vadd.f32 @p3 v26, v28  }
0x1a7: {  	v59 =	vmul.f32 v56, v56;
	v27 =	vmul.f32 v57, v57;
	v20 =	vpsel p3, v20, v15  }
0x1a8: {  	v24 =	vpsel p3, v24, v15;
	vm1 =	vle.f32 @p2 v21, v16;
	v58 =	vsub.f32 v23, v14  }
0x1a9: {  	v25 =	vpsel p3, v25, v15;
	v22 =	vmovc @p2 v33;
	v21 =	vadd.f32 v27, v59;
	v30 =	vsel @p2 vm1, $0x3F800000, v4  }
0x1aa: {  	vm1 =	vmmov @p2 vm1;
	v22 =	vpsel p2, v22, v0;
	v60 =	vmul.f32 v58, v58  }
0x1ab: {  	v26 =	vpsel p3, v26, v15;
	v30 =	vpsel p2, v30, v0;
	v22 =	vnsel @p2 vm1, $0x0, v22  }
0x1ac: {  	v27 =	vnsel @p2 vm1, $0x0, v29;
	v20 =	vadd.f32 @p2 v30, v20;
	v21 =	vadd.f32 v60, v21  }
0x1ad: {  	v19 =	vnsel @p2 vm1, $0x0, v19;
	v22 =	vadd.f32 @p2 v22, v24;
	v24 =	vadd.f32 @p2 v27, v25  }
.Ltmp25:
0x1ae: {  	v20 =	vpsel p2, v20, v15;
	vm1 =	vle.f32 v21, v16;
	v16 =	vadd.f32 @p2 v19, v26;
	(pc) =	sbr.rel .LBB2_40-.Ltmp25, $4  }
0x1af: {  	v61 =	vpsel p2, v22, v15;
	v62 =	vpsel p2, v24, v15;
	v19 =	vsel vm1, $0x3F800000, v4  }
0x1b0: {  	v63 =	vpsel p2, v16, v15;
	v15 =	vnsel vm1, $0x0, v17;
	v16 =	vnsel vm1, $0x0, v18  }
0x1b1: {  	v18 =	vadd.f32 v19, v20;
	v17 =	vnsel vm1, $0x0, v23;
	v15 =	vadd.f32 v15, v61  }
0x1b2: {  	v16 =	vadd.f32 v16, v62;
	v17 =	vadd.f32 v17, v63  }
.LBB2_24:
.Ltmp26:
0x1b3: {  	(pc) =	sbr.rel .LBB2_25-.Ltmp26, $4  }
0x1b4: {  	_ = 	snop  }
0x1b5: {  	s24 =	simm.s32 $0x5020;
	s25 =	simm.s32 $0x2820  }
0x1b6: {  	s26 =	simm.s32 $0x20;
	s28 =	simm.s32 $0x30;
	s24 =	simm.s32 @p1 $0x5020  }
0x1b7: {  	v17 =	vpsel p1, $0x7F800000, v3;
	v15 =	vpsel p1, $0x0, v2;
	v16 =	vpsel p1, $0x7F800000, v3;
	s25 =	simm.s32 @p1 $0x2820;
	s26 =	simm.s32 @p1 $0x20;
	s28 =	simm.s32 @p1 $0x30  }
.LBB2_27:
0x1b8: {  	s28 =	sadd.s32 $0x40, s28  }
0x1b9: {  	p2 =	sne.s32 s28, $0x2830  }
.Ltmp27:
0x1ba: {  	_ = 	snop;
	(pc) =	sbr.rel @!p2 .LBB2_28-.Ltmp27, $2  }
0x1bb: {  	_ =	sdelay $0x2  }
0x1bc: {  	s26 =	sadd.s32 $0x40, s26;
	s25 =	sadd.s32 $0x40, s25;
	s24 =	sadd.s32 $0x40, s24  }
.LBB2_25:
0x1bd: {  	v18 =	vld [tilespmem:s26+$0xFFFFFFF0]  }
0x1be: {  	v19 =	vld [tilespmem:s25+$0xFFFFFFF0]  }
0x1bf: {  	v20 =	vld [tilespmem:s26+$0x0]  }
0x1c0: {  	v21 =	vld [tilespmem:s25+$0x0]  }
0x1c1: {  	v22 =	vld [tilespmem:s26+$0xFFFFFFE0]  }
0x1c2: {  	v23 =	vld [tilespmem:s25+$0xFFFFFFE0]  }
0x1c3: {  	v26 =	vld [tilespmem:s25+$0x10]  }
0x1c4: {  	v24 =	vld [tilespmem:s24+$0xFFFFFFF0];
	v18 =	vsub.f32 v18, v12;
	v19 =	vsub.f32 v19, v13  }
0x1c5: {  	v25 =	vld [tilespmem:s26+$0x10];
	v20 =	vsub.f32 v20, v12;
	v21 =	vsub.f32 v21, v13  }
0x1c6: {  	v27 =	vld [tilespmem:s24+$0x0];
	v18 =	vmul.f32 v18, v18;
	v19 =	vmul.f32 v19, v19  }
0x1c7: {  	v28 =	vld [tilespmem:s24+$0x10];
	v22 =	vsub.f32 v22, v12;
	v20 =	vmul.f32 v20, v20;
	v21 =	vmul.f32 v21, v21  }
0x1c8: {  	v58 =	vsub.f32 v26, v13;
	v18 =	vadd.f32 v19, v18;
	v19 =	vld [tilespmem:s24+$0xFFFFFFE0]  }
0x1c9: {  	v24 =	vsub.f32 v24, v14;
	v21 =	vadd.f32 v21, v20  }
0x1ca: {  	v20 =	vsub.f32 v23, v13;
	v23 =	vsub.f32 v25, v12  }
0x1cb: {  	v59 =	vsub.f32 v27, v14;
	v22 =	vmul.f32 v22, v22;
	v25 =	vmul.f32 v58, v58  }
0x1cc: {  	v60 =	vsub.f32 v28, v14;
	v20 =	vmul.f32 v20, v20;
	v23 =	vmul.f32 v23, v23  }
0x1cd: {  	v62 =	vmul.f32 v59, v59;
	v61 =	vsub.f32 v19, v14;
	v19 =	vmul.f32 v24, v24  }
0x1ce: {  	v63 =	vmul.f32 v60, v60;
	v22 =	vadd.f32 v20, v22;
	v23 =	vadd.f32 v25, v23  }
0x1cf: {  	v20 =	vadd.f32 v19, v18;
	v19 =	vadd.f32 v62, v21;
	v21 =	vmul.f32 v61, v61  }
0x1d0: {  	v18 =	vadd.f32 v63, v23  }
0x1d1: {  	v21 =	vadd.f32 v21, v22;
	vm1 =	vlt.f32 v20, v17;
	vm2 =	vlt.f32 v19, v17  }
0x1d2: {  	vm3 =	vlt.f32 v18, v17;
	vm2 =	vmor vm1, vm2  }
0x1d3: {  	vm1 =	vlt.f32 v21, v17;
	vm2 =	vmor vm2, vm3  }
0x1d4: {  	vm2 =	vmor vm1, vm2  }
0x1d5: {  	v22 =	vmpcnt.ones.xlane vm2;
	_ =	sdelay $0x1  }
0x1d6: {  	(v2sf) =	vpush v22, $0x0;
	_ =	sdelay $0xe  }
0x1d7: {  	s29 =	spop (v2sf)  }
0x1d8: {  	p2 =	slt.s32 s29, $0x1  }
.Ltmp28:
0x1d9: {  	_ = 	snop;
	(pc) =	sbr.rel @p2 .LBB2_27-.Ltmp28, $1  }
0x1da: {  	_ =	sdelay $0x3  }
0x1db: {  	v22 =	vmpcnt.ones.xlane vm1;
	_ =	sdelay $0x1  }
0x1dc: {  	(v2sf) =	vpush v22, $0x0;
	_ =	sdelay $0xe  }
0x1dd: {  	s29 =	spop (v2sf)  }
0x1de: {  	p3 =	slt.s32 s29, $0x1  }
0x1df: {  	s29 =	sadd.s32 $0xFFFFFFD0, s28;
	v22 =	vlaneseq.u32 @!p3  }
0x1e0: {  	v23 =	vor.u32 @!p3 s29, v22  }
0x1e1: {  	(xrf1) =	vsort.ascd.msk.f32 @!p3 $0xffff, v21, v23;
	_ =	sdelay $0x9  }
0x1e2: {  	v21 =	vmul.u32 @!p3 $0xFFFFFFFF, v22;
	_ =	sdelay $0x1  }
0x1e3: {  	v21 =	vadd.s32 @!p3 $0xF, v21  }
0x1e4: {  	v22 =	vperm.xlane @!p3 v16, v21  }
0x1e5: {  	v21 =	vperm.xlane @!p3 v15, v21;
	v23, v24, _ =	vpop @!p3 (xrf1)  }
0x1e6: {  	vm1 =	vlt.f32 @!p3 v23, v22  }
0x1e7: {  	v22 =	vsel @!p3 vm1, v23, v22;
	v21 =	vsel @!p3 vm1, v24, v21  }
0x1e8: {  	(xrf1) =	vsort.ascd.msk.f32 @!p3 $0xffff, v22, v21;
	_ =	sdelay $0xd  }
0x1e9: {  	v21, v22, _ =	vpop @!p3 (xrf1)  }
0x1ea: {  	v23 =	vbroadcast @!p3 v21, $0x7;
	_ =	sdelay $0x1  }
0x1eb: {  	v17 =	vpsel p3, v17, v23  }
0x1ec: {  	vm1 =	vlt.f32 v20, v17  }
0x1ed: {  	v61 =	vmpcnt.ones.xlane vm1;
	_ =	sdelay $0x1  }
0x1ee: {  	(v2sf) =	vpush v61, $0x0;
	_ =	sdelay $0xe  }
0x1ef: {  	s31 =	spop (v2sf)  }
0x1f0: {  	p2 =	slt.s32 s31, $0x1  }
0x1f1: {  	s29 =	sadd.s32 $0xFFFFFFE0, s28;
	v23 =	vlaneseq.u32 @!p2  }
0x1f2: {  	v24 =	vor.u32 @!p2 s29, v23  }
0x1f3: {  	(xrf1) =	vsort.ascd.msk.f32 @!p2 $0xffff, v20, v24;
	_ =	sdelay $0x9  }
0x1f4: {  	v20 =	vmul.u32 @!p2 $0xFFFFFFFF, v23;
	_ =	sdelay $0x1  }
0x1f5: {  	v16 =	vpsel p3, v16, v21;
	v20 =	vadd.s32 @!p2 $0xF, v20  }
0x1f6: {  	v15 =	vpsel p3, v15, v22;
	v21 =	vperm.xlane @!p2 v16, v20  }
0x1f7: {  	v20 =	vperm.xlane @!p2 v15, v20;
	v22, v23, _ =	vpop @!p2 (xrf1)  }
0x1f8: {  	vm1 =	vlt.f32 @!p2 v22, v21  }
0x1f9: {  	v21 =	vsel @!p2 vm1, v22, v21;
	v20 =	vsel @!p2 vm1, v23, v20  }
0x1fa: {  	(xrf1) =	vsort.ascd.msk.f32 @!p2 $0xffff, v21, v20;
	_ =	sdelay $0xd  }
0x1fb: {  	v20, v21, _ =	vpop @!p2 (xrf1)  }
0x1fc: {  	v22 =	vbroadcast @!p2 v20, $0x7;
	_ =	sdelay $0x1  }
0x1fd: {  	v17 =	vpsel p2, v17, v22  }
0x1fe: {  	vm1 =	vlt.f32 v19, v17  }
0x1ff: {  	v62 =	vmpcnt.ones.xlane vm1;
	_ =	sdelay $0x1  }
0x200: {  	(v2sf) =	vpush v62, $0x0;
	_ =	sdelay $0xe  }
0x201: {  	s30 =	spop (v2sf)  }
0x202: {  	p3 =	slt.s32 s30, $0x1  }
0x203: {  	s29 =	sadd.s32 $0xFFFFFFF0, s28;
	v22 =	vlaneseq.u32 @!p3  }
0x204: {  	v23 =	vor.u32 @!p3 s29, v22  }
0x205: {  	(xrf1) =	vsort.ascd.msk.f32 @!p3 $0xffff, v19, v23;
	_ =	sdelay $0x9  }
0x206: {  	v19 =	vmul.u32 @!p3 $0xFFFFFFFF, v22;
	_ =	sdelay $0x1  }
0x207: {  	v16 =	vpsel p2, v16, v20;
	v19 =	vadd.s32 @!p3 $0xF, v19  }
0x208: {  	v15 =	vpsel p2, v15, v21;
	v20 =	vperm.xlane @!p3 v16, v19  }
0x209: {  	v19 =	vperm.xlane @!p3 v15, v19;
	v21, v22, _ =	vpop @!p3 (xrf1)  }
0x20a: {  	vm1 =	vlt.f32 @!p3 v21, v20  }
0x20b: {  	v20 =	vsel @!p3 vm1, v21, v20;
	v19 =	vsel @!p3 vm1, v22, v19  }
0x20c: {  	(xrf1) =	vsort.ascd.msk.f32 @!p3 $0xffff, v20, v19;
	_ =	sdelay $0xd  }
0x20d: {  	v19, v20, _ =	vpop @!p3 (xrf1)  }
0x20e: {  	v21 =	vbroadcast @!p3 v19, $0x7;
	_ =	sdelay $0x1  }
0x20f: {  	v17 =	vpsel p3, v17, v21  }
0x210: {  	vm1 =	vlt.f32 v18, v17  }
0x211: {  	v63 =	vmpcnt.ones.xlane vm1;
	_ =	sdelay $0x1  }
0x212: {  	(v2sf) =	vpush v63, $0x0;
	_ =	sdelay $0xe  }
0x213: {  	s31 =	spop (v2sf)  }
0x214: {  	p2 =	slt.s32 s31, $0x1  }
0x215: {  	v21 =	vlaneseq.u32 @!p2  }
0x216: {  	v22 =	vor.u32 @!p2 s28, v21  }
0x217: {  	(xrf1) =	vsort.ascd.msk.f32 @!p2 $0xffff, v18, v22;
	_ =	sdelay $0x9  }
0x218: {  	v18 =	vmul.u32 @!p2 $0xFFFFFFFF, v21;
	_ =	sdelay $0x1  }
0x219: {  	v16 =	vpsel p3, v16, v19;
	v18 =	vadd.s32 @!p2 $0xF, v18  }
0x21a: {  	v15 =	vpsel p3, v15, v20;
	v19 =	vperm.xlane @!p2 v16, v18  }
0x21b: {  	v18 =	vperm.xlane @!p2 v15, v18;
	v20, v21, _ =	vpop @!p2 (xrf1)  }
0x21c: {  	vm1 =	vlt.f32 @!p2 v20, v19  }
0x21d: {  	v19 =	vsel @!p2 vm1, v20, v19;
	v18 =	vsel @!p2 vm1, v21, v18  }
0x21e: {  	(xrf1) =	vsort.ascd.msk.f32 @!p2 $0xffff, v19, v18;
	_ =	sdelay $0xc  }
.Ltmp29:
0x21f: {  	_ = 	snop;
	(pc) =	sbr.rel .LBB2_27-.Ltmp29, $3  }
0x220: {  	v18, v19, _ =	vpop @!p2 (xrf1)  }
0x221: {  	v20 =	vbroadcast @!p2 v18, $0x7;
	_ =	sdelay $0x1  }
0x222: {  	v16 =	vpsel p2, v16, v18;
	v15 =	vpsel p2, v15, v19;
	v17 =	vpsel p2, v17, v20  }
.LBB2_30:
0x223: {  	v16 =	vimm.f32 $0.0e+00;
	v17 =	vimm.f32 $0.0e+00;
	v18 =	vimm.f32 $0.0e+00  }
.LBB2_40:
0x224: {  	(xrf2) =	vadd.scan.msk.f32 $0xffff, v18;
	_ =	sdelay $0x8  }
0x225: {  	(xrf2) =	vadd.scan.msk.f32 $0xffff, v15  }
0x226: {  	v15, _, _ =	vpop (xrf2);
	(xrf2) =	vadd.scan.msk.f32 $0xffff, v16  }
0x227: {  	v15 =	vbroadcast v15, $0xF;
	(xrf2) =	vadd.scan.msk.f32 $0xffff, v17;
	_ =	sdelay $0x1  }
0x228: {  	(erf) = vrcp.f32 v15;
	_ =	sdelay $0x5  }
0x229: {  	v15, _, _ =	vpop (xrf2)  }
.Ltmp30:
0x22a: {  	v16, _, _ =	vpop (xrf2);
	(pc) =	sbr.rel .LBB2_41-.Ltmp30, $4  }
0x22b: {  	v15 =	vbroadcast v15, $0xF;
	v17, _, _ =	vpop (xrf2)  }
0x22c: {  	v16 =	vbroadcast v16, $0xF;
	v18 =	vpop (erf);
	v17 =	vbroadcast v17, $0xF  }
0x22d: {  	v15 =	vmul.f32 v18, v15  }
0x22e: {  	v16 =	vmul.f32 v18, v16;
	v17 =	vmul.f32 v18, v17  }
.LBB2_14:
.Ltmp31:
0x22f: {  	(pc) =	sbr.rel .LBB2_22-.Ltmp31, $4  }
0x230: {  	_ = 	snop  }
0x231: {  	v24 =	vimm.f32 $+Inf;
	v35 =	vimm.f32 $+Inf  }
0x232: {  	v37 =	vimm.f32 $+Inf;
	v25 =	vimm.f32 $+Inf;
	v26 =	vimm.f32 $+Inf  }
0x233: {  	v33 =	vimm.f32 $+Inf;
	v36 =	vimm.f32 $+Inf;
	v41 =	vimm.f32 $+Inf  }
.LBB2_16:
.Ltmp32:
0x234: {  	(pc) =	sbr.rel .LBB2_22-.Ltmp32, $4  }
0x235: {  	_ = 	snop  }
0x236: {  	v24 =	vimm.f32 $+Inf;
	v35 =	vimm.f32 $+Inf  }
0x237: {  	v37 =	vimm.f32 $+Inf;
	v25 =	vimm.f32 $+Inf;
	v26 =	vimm.f32 $+Inf  }
0x238: {  	v33 =	vimm.f32 $+Inf;
	v36 =	vimm.f32 $+Inf;
	v41 =	vimm.f32 $+Inf  }
.LBB2_18:
.Ltmp33:
0x239: {  	(pc) =	sbr.rel .LBB2_22-.Ltmp33, $4  }
0x23a: {  	_ = 	snop  }
0x23b: {  	v24 =	vimm.f32 $+Inf;
	v35 =	vimm.f32 $+Inf;
	v37 =	vimm.f32 $+Inf  }
0x23c: {  	v25 =	vimm.f32 $+Inf;
	v26 =	vimm.f32 $+Inf;
	v27 =	vmovc v23;
	v32 =	vmovc v17;
	v31 =	vmov v18  }
0x23d: {  	v33 =	vimm.f32 $+Inf;
	v34 =	vmovc v19;
	v36 =	vimm.f32 $+Inf;
	v40 =	vmovc v22;
	v41 =	vimm.f32 $+Inf  }
.LBB2_20:
.Ltmp34:
0x23e: {  	(pc) =	sbr.rel .LBB2_22-.Ltmp34, $2  }
0x23f: {  	_ =	sdelay $0x2  }
0x240: {  	v35 =	vimm.f32 $+Inf;
	v37 =	vimm.f32 $+Inf  }
.LBB2_32:
.Ltmp35:
0x241: {  	(pc) =	sbr.rel .LBB2_39-.Ltmp35, $3  }
0x242: {  	_ =	sdelay $0x1  }
0x243: {  	v20 =	vimm.f32 $0.0e+00  }
0x244: {  	v26 =	vimm.f32 $0.0e+00;
	v27 =	vimm.f32 $0.0e+00;
	v28 =	vimm.f32 $0.0e+00  }
.LBB2_34:
.Ltmp36:
0x245: {  	(pc) =	sbr.rel .LBB2_39-.Ltmp36, $3  }
0x246: {  	_ =	sdelay $0x1  }
0x247: {  	v20 =	vimm.f32 $0.0e+00;
	v33 =	vmov v17;
	v34 =	vmov v18  }
0x248: {  	v26 =	vimm.f32 $0.0e+00;
	v27 =	vimm.f32 $0.0e+00;
	v28 =	vimm.f32 $0.0e+00;
	v17 =	vmovc v23;
	v18 =	vmovc v25  }
.LBB2_36:
.Ltmp37:
0x249: {  	_ = 	snop;
	(pc) =	sbr.rel .LBB2_39-.Ltmp37, $4  }
0x24a: {  	_ = 	snop  }
0x24b: {  	v35 =	vmov v17;
	v36 =	vmov v18  }
0x24c: {  	v20 =	vimm.f32 $0.0e+00;
	v37 =	vmovc v19;
	v33 =	vmovc v23;
	v34 =	vmov v25;
	v19 =	vmov v32  }
0x24d: {  	v26 =	vimm.f32 $0.0e+00;
	v27 =	vimm.f32 $0.0e+00;
	v28 =	vimm.f32 $0.0e+00;
	v17 =	vmovc v30;
	v18 =	vmovc v31  }
.LBB2_44:
0x24e: {  	_ =	sfence.sel $0x180000  }
0x24f: {  	[bflag:$0x0] =	sbarrier.arrive $0xFFFF  }
0x250: {  	p0 =	sne.s32 s0, $0x0;
	_ =	strace $0x90000047  }
0x251: {  	s0 =	sadd.s32 @!p0 $0x100000, s1;
	[bflag:$0x2] =	sbarrier.arrive $0xFFFF  }
0x252: {  	[sflag:s0] =	ssyncadd.tile.s32 @!p0 $0x1;
	_ =	shalt  }
.Lfunc_end2:
_tile_overlayer_lowered:
.L_overlay_start_2:
0x253: {  	(tag) =	ssettag $0x2  }
0x254: {  	s0 =	rddreg [dreg:$0x0];
	s2 =	stileid.u32  }
0x255: {  	s1 =	rddreg [dreg:$0x1];
	p0 =	sne.s32 s2, $0x0  }
0x256: {  	s3 =	rddreg [dreg:$0x2];
	[bflag:$0x3] =	sbarrier.arrive $0xFFFF;
	s2 =	simm.s32 @!p0 $0x1C01  }
0x257: {  	[timem:s3], [sflag:s2] =	dma.local @!p0 [hbm:s0], s1  }
0x258: {  	s0 =	simm.s32 @!p0 $0x1  }
0x259: {  	_ =	swait.ge @!p0 [sflag:s0], s1  }
0x25a: {  	s1 =	ssub.s32 @!p0 $0x0, s1;
	[sflag:s0] =	ssyncset.done @!p0 $0x0  }
0x25b: {  	[sflag:s0] =	ssyncadd.s32 @!p0 s1  }
0x25c: {  	[bflag:$0x3] =	sbarrier.arrive $0xFFFF  }
0x25d: {  	_ =	shalt  }

</sc_bundles>
